<compile_context>
chip_gen: v7x
topology: tpu7x:2x2x1
jax: 0.10.2.dev20260603
libtpu: 0.0.44.dev20260713+nightly
codegen_flags: <defaults>
</compile_context>

<pallas_src>
import functools

import jax
import jax.numpy as jnp
from jax import lax
from jax.experimental import pallas as pl
from jax.experimental.pallas import tpu as pltpu
from jax.experimental.pallas import tpu_sc as plsc

NC, NS = 2, 16
EB = 128
GRP = NS * EB
LAMB = 0.5
L2_NORM = 1e-4


def _ceil_to(x, m):
    return (x + m - 1) // m * m


def _spmm_body(jobs, rows_per_sub,
               emb_i, emb_u, ii_r, ii_c, tm_s, tm_g, zrows,
               o0, o1, o2, ot0, ot1,
               acc, rbuf0, cbuf0, gbuf0, sem0, rbuf1, cbuf1, gbuf1, sem1):
    cid = lax.axis_index("c")
    sid = lax.axis_index("s")
    srcs = (emb_i, emb_u)
    edges = ((ii_r, ii_c), (tm_s, tm_g))
    outs = (o0, o1, o2, ot0, ot1)
    my_rows = pl.ds(sid * rows_per_sub, rows_per_sub)
    bufs = ((rbuf0, cbuf0, gbuf0, sem0), (rbuf1, cbuf1, gbuf1, sem1))
    ND = len(bufs)

    def run_job(src_sel, edge_sel, idx_base, n_groups, out_sel):
        src = srcs[src_sel]
        rows_ref, cols_ref = edges[edge_sel]
        out = outs[out_sel]
        pltpu.sync_copy(zrows, acc.at[my_rows])
        plsc.subcore_barrier()

        def stage(g, bs):
            rb, cb, gb, sm = bufs[bs]
            start = pl.multiple_of(idx_base + g * GRP + sid * EB, EB)
            pltpu.sync_copy(rows_ref.at[pl.ds(start, EB)], rb)
            pltpu.sync_copy(cols_ref.at[pl.ds(start, EB)], cb)
            pltpu.async_copy(src.at[cb], gb, sm)

        def drain(bs):
            rb, cb, gb, sm = bufs[bs]
            pltpu.make_async_copy(src.at[cb], gb, sm).wait()
            pltpu.sync_copy(gb, acc.at[rb], add=True)

        @pl.when(n_groups > 0)
        def _():
            for w in range(ND - 1):
                @pl.when(w < n_groups)
                def _(w=w):
                    stage(w, w)

            def grp(g, carry):
                for par in range(ND):
                    @pl.when(g % ND == par)
                    def _(par=par):
                        @pl.when(g + ND - 1 < n_groups)
                        def _():
                            stage(g + ND - 1, (par + ND - 1) % ND)
                        drain(par)
                return carry

            lax.fori_loop(0, n_groups, grp, 0)
        plsc.subcore_barrier()
        pltpu.sync_copy(acc.at[my_rows], out.at[my_rows])
        plsc.subcore_barrier()

    for core, job_list in enumerate(jobs):
        @pl.when(cid == core)
        def _(job_list=job_list):
            for j in job_list:
                run_job(*j)


@functools.partial(jax.jit, static_argnums=(7, 8, 9))
def _spmm4(emb_i, emb_u, ii_r, ii_c, tm_s, tm_g, zrows, ip, g_ii, g_tm):
    rows_per_sub = ip // NS
    n_ii_p = g_ii * GRP
    g_tm0 = max((g_tm - g_ii) // 2, 0)
    jobs = (
        ((0, 0, 0, g_ii, 0),
         (0, 0, n_ii_p, g_ii, 1),
         (1, 1, 0, g_tm0, 3)),
        ((0, 0, 2 * n_ii_p, g_ii, 2),
         (1, 1, g_tm0 * GRP, g_tm - g_tm0, 4)),
    )
    mesh = plsc.VectorSubcoreMesh(core_axis_name="c", subcore_axis_name="s",
                                  num_cores=NC, num_subcores=NS)
    body = functools.partial(_spmm_body, jobs, rows_per_sub)
    f = pl.kernel(
        body,
        out_type=tuple(jax.ShapeDtypeStruct((ip, 64), jnp.float32)
                       for _ in range(5)),
        mesh=mesh,
        scratch_types=[
            pltpu.VMEM_SHARED((ip, 64), jnp.float32),
        ] + [
            t
            for _ in range(2)
            for t in (pltpu.VMEM((EB,), jnp.int32),
                      pltpu.VMEM((EB,), jnp.int32),
                      pltpu.VMEM((EB, 64), jnp.float32),
                      pltpu.SemaphoreType.DMA)
        ],
        compiler_params=pltpu.CompilerParams(use_tc_tiling_on_sc=False),
    )
    return f(emb_i, emb_u, ii_r, ii_c, tm_s, tm_g, zrows)


MAP_SPAN = 3136
MAP_SZ = NS * MAP_SPAN
ACC_B = 640
GV = 32
ECH = 8192
ET = 2 * ECH
GB = 1664


def _batch_body(n_ii, emb_i, emb_u, iid0, iid1, iid2, ifw, ui_r, ui_c,
                item_idx, user2d, slots2d, neg1, zrows,
                t1p0, t1p1, sp0, sp1, g1, g20, g21, g22, gifw, ueb,
                map_sp, t1a0, t1a1, t1a2, sa0, sa1, sa2,
                ibuf, ebr, ebc, pbuf, gflags, plist, clist,
                gbuf, gbuf2, ubuf2d, sbuf2d, sem, sem2):
    cid = lax.axis_index("c")
    sid = lax.axis_index("s")
    wid = cid * NS + sid
    t1accs = (t1a0, t1a1, t1a2)
    saccs = (sa0, sa1, sa2)
    iids = (iid0, iid1, iid2)

    pltpu.sync_copy(neg1, map_sp.at[pl.ds(sid * MAP_SPAN, MAP_SPAN)])
    for a in (t1a0, t1a1, t1a2, sa0, sa1, sa2):
        pltpu.sync_copy(zrows.at[pl.ds(0, ACC_B // NS)],
                        a.at[pl.ds(sid * (ACC_B // NS), ACC_B // NS)])
    plsc.subcore_barrier()

    @pl.when(sid == 0)
    def _():
        pltpu.sync_copy(user2d, ubuf2d)
        pltpu.sync_copy(slots2d, sbuf2d)
        for j in range(4):
            pltpu.sync_copy(sbuf2d.at[j], map_sp.at[ubuf2d.at[j]])
    plsc.subcore_barrier()

    zero16 = jnp.zeros((16,), jnp.int32)
    dump16 = zero16 + 512

    def flush(t1a, sa, iid):
        pltpu.async_copy(emb_i.at[clist], gbuf, sem).wait()
        pltpu.sync_copy(gbuf, t1a.at[plist], add=True)
        pltpu.async_copy(iid.at[clist], gbuf2, sem2).wait()
        pltpu.sync_copy(gbuf2, sa.at[plist], add=True)

    for r in range(3):
        t1a, sa, iid = t1accs[r], saccs[r], iids[r]
        rbase = r * (NC * NS * ET) + cid * (NS * ET) + sid * ET
        sp = 0
        for chunk in range(ET // ECH):
            off = pl.multiple_of(rbase + chunk * ECH, EB)
            pltpu.sync_copy(ui_r.at[pl.ds(off, ECH)], ebr)
            pltpu.sync_copy(ui_c.at[pl.ds(off, ECH)], ebc)

            def pos_blk(t, _):
                descs = []
                for j in range(4):
                    o2 = t * 512 + j * EB
                    descs.append(pltpu.async_copy(
                        map_sp.at[ebr.at[pl.ds(o2, EB)]],
                        pbuf.at[pl.ds(o2, EB)], sem))
                for d in descs:
                    d.wait()
                return 0

            lax.fori_loop(0, ECH // 512, pos_blk, 0)

            def grp_v(g, _):
                def vreg_v(k, macc):
                    i = g * GV + k
                    pos16 = pbuf[pl.ds(i * 16, 16)]
                    return macc * 2 + jnp.where(pos16 >= 0, 1, 0)

                macc = lax.fori_loop(0, GV, vreg_v, zero16)
                gflags[pl.ds(g * 16, 16)] = macc
                return 0

            lax.fori_loop(0, ECH // (GV * 16), grp_v, 0)

            def grp_s(g, sp):
                gv = gflags[pl.ds(g * 16, 16)]
                wor = gv[0]
                for l in range(1, 16):
                    wor = wor | gv[l]

                def bits(k, sp):
                    bit = lax.shift_right_logical(wor, GV - 1 - k) & 1

                    @pl.when(bit != 0)
                    def _():
                        i = g * GV + k
                        pos16 = pbuf[pl.ds(i * 16, 16)]
                        cols16 = ebc[pl.ds(i * 16, 16)]
                        posd = jnp.where(pos16 >= 0, pos16, 512)
                        plist[pl.ds(sp, 16)] = posd
                        clist[pl.ds(sp, 16)] = cols16

                    sp = sp + bit * 16

                    @pl.when(sp == EB)
                    def _():
                        flush(t1a, sa, iid)

                    return jnp.where(sp == EB, 0, sp)

                return lax.cond(wor != 0,
                                lambda sp: lax.fori_loop(0, GV, bits, sp),
                                lambda sp: sp, sp)

            sp = lax.fori_loop(0, ECH // (GV * 16), grp_s, sp)

        @pl.when(sp != 0)
        def _(sp=sp):
            def pad_v(t, _):
                plist[pl.ds(sp + t * 16, 16)] = dump16
                clist[pl.ds(sp + t * 16, 16)] = zero16
                return 0

            lax.fori_loop(0, (EB - sp) // 16, pad_v, 0)
            flush(t1a, sa, iid)

    plsc.subcore_barrier()
    rps = ACC_B // NS
    for core, (t1p, sp) in enumerate(((t1p0, sp0), (t1p1, sp1))):
        @pl.when(cid == core)
        def _(t1p=t1p, sp=sp):
            for r in range(3):
                sl_in = pl.ds(sid * rps, rps)
                sl_out = pl.ds(r * ACC_B + sid * rps, rps)
                pltpu.sync_copy(t1accs[r].at[sl_in], t1p.at[sl_out])
                pltpu.sync_copy(saccs[r].at[sl_in], sp.at[sl_out])

    tbase = pl.multiple_of(wid * GB, EB)
    pltpu.sync_copy(item_idx.at[pl.ds(tbase, GB)], ibuf)
    gsets = ((gbuf, sem), (gbuf2, sem2))
    for src, dst in ((emb_i, g1), (iid0, g20), (iid1, g21), (iid2, g22),
                     (ifw, gifw)):
        def fire(b, bs, src=src):
            gb, sm = gsets[bs]
            pltpu.async_copy(src.at[ibuf.at[pl.ds(b * EB, EB)]], gb, sm)

        def g_blk(b, _, src=src, dst=dst, fire=fire):
            for par in range(2):
                @pl.when(b % 2 == par)
                def _(par=par):
                    @pl.when(b + 1 < GB // EB)
                    def _():
                        fire(b + 1, 1 - par)
                    gb, sm = gsets[par]
                    pltpu.make_async_copy(
                        src.at[ibuf.at[pl.ds(b * EB, EB)]], gb, sm).wait()
                    pltpu.sync_copy(gb, dst.at[pl.ds(tbase + b * EB, EB)])
            return 0

        fire(0, 0)
        lax.fori_loop(0, GB // EB, g_blk, 0)

    @pl.when(wid == 0)
    def _():
        for j in range(4):
            pltpu.async_copy(emb_u.at[ubuf2d.at[j]], gbuf, sem).wait()
            pltpu.sync_copy(gbuf, ueb.at[pl.ds(j * EB, EB)])


@functools.partial(jax.jit, static_argnums=(13,))
def _batch_side(emb_i, emb_u, iid0, iid1, iid2, ifw, ui_r, ui_c,
                item_idx, user2d, slots2d, neg1, zrows, n_ii):
    mesh = plsc.VectorSubcoreMesh(core_axis_name="c", subcore_axis_name="s",
                                  num_cores=NC, num_subcores=NS)
    bkp = item_idx.shape[0]
    f32, i32 = jnp.float32, jnp.int32
    f = pl.kernel(
        functools.partial(_batch_body, n_ii),
        out_type=(
            jax.ShapeDtypeStruct((3 * ACC_B, 64), f32),
            jax.ShapeDtypeStruct((3 * ACC_B, 64), f32),
            jax.ShapeDtypeStruct((3 * ACC_B, 64), f32),
            jax.ShapeDtypeStruct((3 * ACC_B, 64), f32),
            jax.ShapeDtypeStruct((bkp, 64), f32),
            jax.ShapeDtypeStruct((bkp, 64), f32),
            jax.ShapeDtypeStruct((bkp, 64), f32),
            jax.ShapeDtypeStruct((bkp, 64), f32),
            jax.ShapeDtypeStruct((bkp, 64), f32),
            jax.ShapeDtypeStruct((512, 64), f32),
        ),
        mesh=mesh,
        scratch_types=[
            pltpu.VMEM_SHARED((MAP_SZ,), i32),
            pltpu.VMEM_SHARED((ACC_B, 64), f32),
            pltpu.VMEM_SHARED((ACC_B, 64), f32),
            pltpu.VMEM_SHARED((ACC_B, 64), f32),
            pltpu.VMEM_SHARED((ACC_B, 64), f32),
            pltpu.VMEM_SHARED((ACC_B, 64), f32),
            pltpu.VMEM_SHARED((ACC_B, 64), f32),
            pltpu.VMEM((GB,), i32),
            pltpu.VMEM((ECH,), i32),
            pltpu.VMEM((ECH,), i32),
            pltpu.VMEM((ECH,), i32),
            pltpu.VMEM((ECH // GV,), i32),
            pltpu.VMEM((EB,), i32),
            pltpu.VMEM((EB,), i32),
            pltpu.VMEM((EB, 64), f32),
            pltpu.VMEM((EB, 64), f32),
            pltpu.VMEM((4, EB), i32),
            pltpu.VMEM((4, EB), i32),
            pltpu.SemaphoreType.DMA,
            pltpu.SemaphoreType.DMA,
        ],
        compiler_params=pltpu.CompilerParams(use_tc_tiling_on_sc=False),
    )
    return f(emb_i, emb_u, iid0, iid1, iid2, ifw, ui_r, ui_c,
             item_idx, user2d, slots2d, neg1, zrows)


def kernel(user, item, user_embedding, item_embedding, mgnn_weight,
           item_behaviour_W, item_propagate_W, W, ui_rows, ui_cols, ui_vals,
           ii_rows, ii_cols, ii_vals, item_graph_degree, user_behaviour_degree,
           tm_rows, tm_cols, tm_vals):
    U, D = user_embedding.shape
    I = item_embedding.shape[0]
    R, n_ii = ii_rows.shape
    n_tm = tm_rows.shape[0]
    B = user.shape[0]
    K = item.shape[1]

    ip = _ceil_to(I + 1, NS * 8)
    n_ii_p = _ceil_to(n_ii, GRP)
    n_tm_p = _ceil_to(n_tm, GRP)

    ii_r_p = jnp.concatenate(
        [ii_rows, jnp.full((R, n_ii_p - n_ii), I, jnp.int32)], 1).reshape(-1)
    ii_c_p = jnp.concatenate(
        [ii_cols, jnp.zeros((R, n_ii_p - n_ii), jnp.int32)], 1).reshape(-1)
    tm_s_p = jnp.concatenate([tm_cols, jnp.full((n_tm_p - n_tm,), I, jnp.int32)])
    tm_g_p = jnp.concatenate([tm_rows, jnp.zeros((n_tm_p - n_tm,), jnp.int32)])
    zrows = jnp.zeros((ip // NS, D), jnp.float32)

    o0, o1, o2, t0, t1 = _spmm4(item_embedding, user_embedding,
                                ii_r_p, ii_c_p, tm_s_p, tm_g_p, zrows,
                                ip, n_ii_p // GRP, n_tm_p // GRP)
    igd_p = jnp.concatenate(
        [item_graph_degree,
         jnp.ones((R, ip - I, 1), jnp.float32)], axis=1)
    ii_div = jnp.stack([o0, o1, o2]) / (igd_p + 1e-8)
    ifw_p = (t0 + t1) @ W

    u = user[:, 0]
    rep = jnp.argmax(u[:, None] == u[None, :], axis=1).astype(jnp.int32)
    user2d = u.reshape(4, EB).astype(jnp.int32)
    slots2d = rep.reshape(4, EB)
    neg1 = jnp.full((MAP_SPAN,), -1, jnp.int32)

    n_ui = ui_rows.shape[1]
    ui_r_p2 = jnp.concatenate(
        [ui_rows, jnp.full((R, NC * NS * ET - n_ui), U, jnp.int32)],
        axis=1).reshape(-1)
    ui_c_p2 = jnp.concatenate(
        [ui_cols, jnp.zeros((R, NC * NS * ET - n_ui), jnp.int32)],
        axis=1).reshape(-1)
    bk = B * K
    bkp = NC * NS * GB
    item_p = jnp.concatenate(
        [item.reshape(-1), jnp.zeros((bkp - bk,), jnp.int32)])

    (t1p0, t1p1, sp0, sp1, g1, g20, g21, g22, gifw, ueb) = _batch_side(
        item_embedding, user_embedding, ii_div[0], ii_div[1], ii_div[2],
        ifw_p, ui_r_p2, ui_c_p2, item_p, user2d, slots2d, neg1, zrows, n_ii)

    T1 = (t1p0 + t1p1).reshape(R, ACC_B, 64)[:, :B]
    S = (sp0 + sp1).reshape(R, ACC_B, 64)[:, :B]
    G1 = g1[:bk].reshape(B, K, D)
    G2s = [g[:bk].reshape(B, K, D) for g in (g20, g21, g22)]
    GifW = gifw[:bk].reshape(B, K, D)

    ubd_b = user_behaviour_degree[u]
    tw_b = ubd_b @ mgnn_weight[:, None]
    ubw_b = ubd_b * mgnn_weight[None, :] / (tw_b + 1e-8)

    score2g = jnp.zeros((B, K), jnp.float32)
    vA = ueb * (R / LAMB)
    user_feat_b = jnp.zeros((B, D), jnp.float32)
    for r in range(R):
        deg = ubd_b[:, r:r + 1] + 1e-8
        T1n = T1[r][rep] / deg
        Sn = S[r][rep] / deg
        unp = jnp.concatenate([T1n, Sn @ item_propagate_W[r]], axis=1)
        user_feat_b = user_feat_b + ubw_b[:, r:r + 1] * T1n
        proj = unp @ item_behaviour_W[r]
        projA, projB = proj[:, :D], proj[:, D:]
        vA = vA + projA
        score2g = score2g + jnp.einsum(
            'bd,bkd->bk', projB @ item_propagate_W[r].T, G2s[r])

    ufW = user_feat_b @ W
    scores = (LAMB / R) * (jnp.einsum('bd,bkd->bk', vA, G1) + score2g) \
           + jnp.einsum('bd,bkd->bk', ufW, GifW)
    uf2 = K * (jnp.sum(ueb ** 2) + jnp.sum(ufW ** 2))
    if2 = jnp.sum(G1 ** 2) + jnp.sum(GifW ** 2)
    L2_loss = L2_NORM * (uf2 + if2)
    return scores, L2_loss

# --- scband reference (transcript-rebuilt; emitter-appended) ---
"""Pipeline reference for scband-mbgcn-63187558859193 (READ-ONLY COPY).

The authoritative reference and input builder live on the scoring server;
editing this copy changes nothing except your own understanding.
"""

import jax, jax.numpy as jnp
import numpy as np

U, I, D, R = 50000, 25000, 64, 3
NNZ_UI, NNZ_II = 500000, 250000
B, K = 512, 100
LAMB = 0.5
L2_NORM = 1e-4


def _spmm(rows, cols, vals, X, n_rows):
    # sparse (n_rows x n_cols) @ X  via gather + segment-sum (scatter-add)
    return jax.ops.segment_sum(vals[:, None] * X[cols], rows, num_segments=n_rows)


def setup_inputs() -> dict:
    rng = np.random.RandomState(0)
    inp = {}
    inp["user"] = jnp.asarray(rng.randint(0, U, size=(B, 1)), dtype=jnp.int32)
    inp["item"] = jnp.asarray(rng.randint(0, I, size=(B, K)), dtype=jnp.int32)

    # learned parameters (xavier-ish init)
    inp["user_embedding"] = jnp.asarray(rng.randn(U, D).astype(np.float32) * np.sqrt(2.0 / (U + D)))
    inp["item_embedding"] = jnp.asarray(rng.randn(I, D).astype(np.float32) * np.sqrt(2.0 / (I + D)))
    inp["mgnn_weight"] = jnp.asarray(np.ones(R, dtype=np.float32))
    inp["item_behaviour_W"] = jnp.asarray(rng.randn(R, 2 * D, 2 * D).astype(np.float32) * np.sqrt(1.0 / (2 * D)))
    inp["item_propagate_W"] = jnp.asarray(rng.randn(R, D, D).astype(np.float32) * np.sqrt(1.0 / D))
    inp["W"] = jnp.asarray(rng.randn(D, D).astype(np.float32) * np.sqrt(1.0 / D))

    # sparse user-item relation matrices (one per behavior)
    ui_rows = np.stack([rng.randint(0, U, NNZ_UI) for _ in range(R)]).astype(np.int32)
    ui_cols = np.stack([rng.randint(0, I, NNZ_UI) for _ in range(R)]).astype(np.int32)
    inp["ui_rows"] = jnp.asarray(ui_rows)
    inp["ui_cols"] = jnp.asarray(ui_cols)
    inp["ui_vals"] = jnp.ones((R, NNZ_UI), dtype=jnp.float32)

    # sparse item-item graphs (one per behavior)
    ii_rows = np.stack([rng.randint(0, I, NNZ_II) for _ in range(R)]).astype(np.int32)
    ii_cols = np.stack([rng.randint(0, I, NNZ_II) for _ in range(R)]).astype(np.int32)
    inp["ii_rows"] = jnp.asarray(ii_rows)
    inp["ii_cols"] = jnp.asarray(ii_cols)
    inp["ii_vals"] = jnp.ones((R, NNZ_II), dtype=jnp.float32)

    # degree buffers consistent with the edge lists
    igd = np.stack([np.bincount(ii_rows[i], minlength=I) for i in range(R)]).astype(np.float32)
    inp["item_graph_degree"] = jnp.asarray(igd[:, :, None])  # [R, I, 1]
    ubd = np.stack([np.bincount(ui_rows[i], minlength=U) for i in range(R)], axis=1).astype(np.float32)
    inp["user_behaviour_degree"] = jnp.asarray(ubd)  # [U, R]

    # train matrix (user x item)
    tm_rows = rng.randint(0, U, NNZ_UI).astype(np.int32)
    tm_cols = rng.randint(0, I, NNZ_UI).astype(np.int32)
    inp["tm_rows"] = jnp.asarray(tm_rows)
    inp["tm_cols"] = jnp.asarray(tm_cols)
    inp["tm_vals"] = jnp.ones((NNZ_UI,), dtype=jnp.float32)
    return inp


def reference(user, item, user_embedding, item_embedding, mgnn_weight, item_behaviour_W, item_propagate_W, W, ui_rows, ui_cols, ui_vals, ii_rows, ii_cols, ii_vals, item_graph_degree, user_behaviour_degree, tm_rows, tm_cols, tm_vals):
    # eval mode: all dropouts are identity
    weight = mgnn_weight[:, None]  # [R, 1]
    total_weight = user_behaviour_degree @ weight  # [U, 1]
    user_behaviour_weight = user_behaviour_degree * mgnn_weight[None, :] / (total_weight + 1e-8)  # [U, R]

    user_feature = jnp.zeros((U, D), dtype=jnp.float32)
    score2 = jnp.zeros((B, K), dtype=jnp.float32)
    for i in range(R):
        # item-item propagation
        ii_agg = _spmm(ii_rows[i], ii_cols[i], ii_vals[i], item_embedding, I) / (item_graph_degree[i] + 1e-8)
        tmp_item_propagation = jnp.concatenate((item_embedding, ii_agg @ item_propagate_W[i]), axis=1)  # [I, 2D]
        tmp_item_embedding = tmp_item_propagation[item]  # [B, K, 2D]
        deg = user_behaviour_degree[:, i:i + 1] + 1e-8
        tmp_user_neighbour = _spmm(ui_rows[i], ui_cols[i], ui_vals[i], item_embedding, U) / deg
        tmp_user_item_neighbour_p = _spmm(ui_rows[i], ui_cols[i], ui_vals[i], tmp_item_propagation, U) / deg
        user_feature = user_feature + user_behaviour_weight[:, i:i + 1] * tmp_user_neighbour
        tbehaviour_item_projection = tmp_user_item_neighbour_p @ item_behaviour_W[i]  # [U, 2D]
        tuser_proj = tbehaviour_item_projection[user[:, 0]][:, None, :]  # [B, 1, 2D]
        score2 = score2 + jnp.sum(tuser_proj * tmp_item_embedding, axis=2)
    score2 = score2 / R

    # train_matrix.t() @ user_embedding  (item x user spmm)
    item_feature = _spmm(tm_cols, tm_rows, tm_vals, user_embedding, I)
    user_feature = user_feature @ W
    item_feature = item_feature @ W
    user_feature = jnp.concatenate((user_embedding, user_feature), axis=1)  # [U, 2D]
    item_feature = jnp.concatenate((item_embedding, item_feature), axis=1)  # [I, 2D]

    tmp_user_feature = jnp.broadcast_to(user_feature[user[:, 0]][:, None, :], (B, K, 2 * D))
    tmp_item_feature = item_feature[item]  # [B, K, 2D]
    score1 = jnp.sum(tmp_user_feature * tmp_item_feature, axis=2)
    scores = score1 + LAMB * score2
    L2_loss = L2_NORM * ((tmp_user_feature ** 2).sum() + (tmp_item_feature ** 2).sum())
    return (scores, L2_loss)

if __name__ == "__main__":
    import jax
    _d = setup_inputs()
    print(jax.jit(kernel)(*tuple(_d.values())))

</pallas_src>

<mosaic_0001>
#map = affine_map<(d0, d1) -> (0, 0)>
#map1 = affine_map<(d0, d1) -> (0)>
module attributes {stable_mosaic.version = 14 : i64} {
  func.func @_spmm_body(%arg0: i32, %arg1: i32, %arg2: memref<25000x64xf32, #tpu.memory_space<hbm>>, %arg3: memref<50000x64xf32, #tpu.memory_space<hbm>>, %arg4: memref<755712xi32, #tpu.memory_space<hbm>>, %arg5: memref<755712xi32, #tpu.memory_space<hbm>>, %arg6: memref<501760xi32, #tpu.memory_space<hbm>>, %arg7: memref<501760xi32, #tpu.memory_space<hbm>>, %arg8: memref<1568x64xf32, #tpu.memory_space<hbm>>, %arg9: memref<25088x64xf32, #tpu.memory_space<hbm>>, %arg10: memref<25088x64xf32, #tpu.memory_space<hbm>>, %arg11: memref<25088x64xf32, #tpu.memory_space<hbm>>, %arg12: memref<25088x64xf32, #tpu.memory_space<hbm>>, %arg13: memref<25088x64xf32, #tpu.memory_space<hbm>>, %arg14: memref<25088x64xf32, #tpu.memory_space<vmem_shared>>, %arg15: memref<128xi32, #tpu.memory_space<vmem>>, %arg16: memref<128xi32, #tpu.memory_space<vmem>>, %arg17: memref<128x64xf32, #tpu.memory_space<vmem>>, %arg18: memref<!tpu.dma_semaphore, #tpu.memory_space<semaphore_mem>>, %arg19: memref<128xi32, #tpu.memory_space<vmem>>, %arg20: memref<128xi32, #tpu.memory_space<vmem>>, %arg21: memref<128x64xf32, #tpu.memory_space<vmem>>, %arg22: memref<!tpu.dma_semaphore, #tpu.memory_space<semaphore_mem>>) attributes {dimension_semantics = [#tpu.dimension_semantics<core_parallel>, #tpu.dimension_semantics<subcore_parallel>], iteration_bounds = array<i64: 2, 16>, scalar_prefetch = 0 : i64, scratch_operands = 9 : i64, tpu.core_type = #tpu.core_type<sc_vector_subcore>, window_params = [{transform_indices = #map}, {transform_indices = #map}, {transform_indices = #map1}, {transform_indices = #map1}, {transform_indices = #map1}, {transform_indices = #map1}, {transform_indices = #map}, {transform_indices = #map}, {transform_indices = #map}, {transform_indices = #map}, {transform_indices = #map}, {transform_indices = #map}]} {
    %mul3A = arith.constant 1568 : i32
    %mul3A_0 = arith.muli %arg1, %mul3A : i32
    %eq3A = arith.constant 0 : i32
    %eq3A_1 = arith.cmpi eq, %arg0, %eq3A : i32
    %convert_element_type3A = arith.extui %eq3A_1 : i1 to i32
    %cond3A = arith.constant 0 : i32
    %cond3A_2 = arith.cmpi ne, %convert_element_type3A, %cond3A : i32
    scf.if %cond3A_2 {
      "tpu.region"() ({
        %run_scoped3A = tpu.sem_alloc : memref<!tpu.dma_semaphore, #tpu.memory_space<semaphore_mem>>
        %dma_start3A_54 = arith.constant 0 : i32
        %dma_start3A_55 = tpu.memref_slice %arg14[%mul3A_0, %dma_start3A_54] : memref<25088x64xf32, #tpu.memory_space<vmem_shared>> -> memref<1568x64xf32, #tpu.memory_space<vmem_shared>>
        tpu.enqueue_dma source(%arg8 : memref<1568x64xf32, #tpu.memory_space<hbm>>) target(%dma_start3A_55 : memref<1568x64xf32, #tpu.memory_space<vmem_shared>>) target_semaphore(%run_scoped3A : memref<!tpu.dma_semaphore, #tpu.memory_space<semaphore_mem>>)
        %dma_wait3A = arith.constant 0 : i32
        %dma_wait3A_56 = tpu.memref_slice %arg14[%mul3A_0, %dma_wait3A] : memref<25088x64xf32, #tpu.memory_space<vmem_shared>> -> memref<1568x64xf32, #tpu.memory_space<vmem_shared>>
        tpu.wait_dma2 semaphore(%run_scoped3A : memref<!tpu.dma_semaphore, #tpu.memory_space<semaphore_mem>>) src(%arg8 : memref<1568x64xf32, #tpu.memory_space<hbm>>) dst(%dma_wait3A_56 : memref<1568x64xf32, #tpu.memory_space<vmem_shared>>)
        tpu.yield
      }) : () -> ()
      %barrier3A = arith.constant 0 : index
      tpu.barrier barrier_id(%barrier3A)
      %mul3A_8 = arith.constant 128 : i32
      %mul3A_9 = arith.muli %arg1, %mul3A_8 : i32
      %add3A = arith.constant 0 : i32
      %add3A_10 = arith.addi %add3A, %mul3A_9 : i32
      %multiple_of3A = tpu.assume_multiple %add3A_10, 128 : i32
      "tpu.region"() ({
        %run_scoped3A = tpu.sem_alloc : memref<!tpu.dma_semaphore, #tpu.memory_space<semaphore_mem>>
        %dma_start3A_54 = tpu.memref_slice %arg4[%multiple_of3A] : memref<755712xi32, #tpu.memory_space<hbm>> -> memref<128xi32, #tpu.memory_space<hbm>>
        %dma_start3A_55 = tpu.memref_slice %arg4[%multiple_of3A] : memref<755712xi32, #tpu.memory_space<hbm>> -> memref<128xi32, #tpu.memory_space<hbm>>
        tpu.enqueue_dma source(%dma_start3A_55 : memref<128xi32, #tpu.memory_space<hbm>>) target(%arg15 : memref<128xi32, #tpu.memory_space<vmem>>) target_semaphore(%run_scoped3A : memref<!tpu.dma_semaphore, #tpu.memory_space<semaphore_mem>>)
        %dma_wait3A = tpu.memref_slice %arg4[%multiple_of3A] : memref<755712xi32, #tpu.memory_space<hbm>> -> memref<128xi32, #tpu.memory_space<hbm>>
        %dma_wait3A_56 = tpu.memref_slice %arg4[%multiple_of3A] : memref<755712xi32, #tpu.memory_space<hbm>> -> memref<128xi32, #tpu.memory_space<hbm>>
        tpu.wait_dma2 semaphore(%run_scoped3A : memref<!tpu.dma_semaphore, #tpu.memory_space<semaphore_mem>>) src(%dma_wait3A_56 : memref<128xi32, #tpu.memory_space<hbm>>) dst(%arg15 : memref<128xi32, #tpu.memory_space<vmem>>)
        tpu.yield
      }) : () -> ()
      "tpu.region"() ({
        %run_scoped3A = tpu.sem_alloc : memref<!tpu.dma_semaphore, #tpu.memory_space<semaphore_mem>>
        %dma_start3A_54 = tpu.memref_slice %arg5[%multiple_of3A] : memref<755712xi32, #tpu.memory_space<hbm>> -> memref<128xi32, #tpu.memory_space<hbm>>
        %dma_start3A_55 = tpu.memref_slice %arg5[%multiple_of3A] : memref<755712xi32, #tpu.memory_space<hbm>> -> memref<128xi32, #tpu.memory_space<hbm>>
        tpu.enqueue_dma source(%dma_start3A_55 : memref<128xi32, #tpu.memory_space<hbm>>) target(%arg16 : memref<128xi32, #tpu.memory_space<vmem>>) target_semaphore(%run_scoped3A : memref<!tpu.dma_semaphore, #tpu.memory_space<semaphore_mem>>)
        %dma_wait3A = tpu.memref_slice %arg5[%multiple_of3A] : memref<755712xi32, #tpu.memory_space<hbm>> -> memref<128xi32, #tpu.memory_space<hbm>>
        %dma_wait3A_56 = tpu.memref_slice %arg5[%multiple_of3A] : memref<755712xi32, #tpu.memory_space<hbm>> -> memref<128xi32, #tpu.memory_space<hbm>>
        tpu.wait_dma2 semaphore(%run_scoped3A : memref<!tpu.dma_semaphore, #tpu.memory_space<semaphore_mem>>) src(%dma_wait3A_56 : memref<128xi32, #tpu.memory_space<hbm>>) dst(%arg16 : memref<128xi32, #tpu.memory_space<vmem>>)
        tpu.yield
      }) : () -> ()
      %dma_start3A = arith.constant 0 : i32
      %dma_start3A_11 = arith.constant 0 : i32
      %dma_start3A_12 = tpu.memref_slice %arg2[%dma_start3A, %dma_start3A_11] : memref<25000x64xf32, #tpu.memory_space<hbm>> -> memref<25000x64xf32, #tpu.memory_space<hbm>>
      tpu.enqueue_indirect_dma source(%dma_start3A_12 : memref<25000x64xf32, #tpu.memory_space<hbm>>) target(%arg17 : memref<128x64xf32, #tpu.memory_space<vmem>>) offsets(%arg16 : memref<128xi32, #tpu.memory_space<vmem>>) semaphore(%arg18 : memref<!tpu.dma_semaphore, #tpu.memory_space<semaphore_mem>>)
      %scan3A = arith.constant 0 : i32
      %scan3A_13 = arith.constant 0 : i32
      %scan3A_14 = arith.constant 123 : i32
      %scan3A_15 = arith.addi %scan3A_13, %scan3A_14 : i32
      %scan3A_16 = arith.constant 1 : i32
      scf.for %scan3A_54 = %scan3A_13 to %scan3A_15 step %scan3A_16  : i32 {
        %jit3A = arith.constant 2 : i32
        %eq3A_55 = arith.constant 0 : i32
        %eq3A_56 = arith.cmpi eq, %jit3A, %eq3A_55 : i32
        %jit3A_57 = arith.constant 1 : i32
        %select_n3A = arith.select %eq3A_56, %jit3A_57, %jit3A : i32
        %rem3A = arith.remsi %scan3A_54, %select_n3A : i32
        %ne3A = arith.constant 0 : i32
        %ne3A_58 = arith.cmpi ne, %rem3A, %ne3A : i32
        %lt3A = arith.constant 0 : i32
        %lt3A_59 = arith.cmpi slt, %rem3A, %lt3A : i32
        %lt3A_60 = arith.constant 0 : i32
        %lt3A_61 = arith.cmpi slt, %select_n3A, %lt3A_60 : i32
        %ne3A_62 = arith.xori %lt3A_59, %lt3A_61 : i1
        %and3A = arith.andi %ne3A_62, %ne3A_58 : i1
        %add3A_63 = arith.addi %rem3A, %select_n3A : i32
        %select_n3A_64 = arith.select %and3A, %add3A_63, %rem3A : i32
        %eq3A_65 = arith.constant 0 : i32
        %eq3A_66 = arith.cmpi eq, %select_n3A_64, %eq3A_65 : i32
        %convert_element_type3A_67 = arith.extui %eq3A_66 : i1 to i32
        %cond3A_68 = arith.constant 0 : i32
        %cond3A_69 = arith.cmpi ne, %convert_element_type3A_67, %cond3A_68 : i32
        scf.if %cond3A_69 {
          %add3A_91 = arith.constant 2 : i32
          %add3A_92 = arith.addi %scan3A_54, %add3A_91 : i32
          %sub3A = arith.constant 1 : i32
          %sub3A_93 = arith.subi %add3A_92, %sub3A : i32
          %lt3A_94 = arith.constant 123 : i32
          %lt3A_95 = arith.cmpi slt, %sub3A_93, %lt3A_94 : i32
          %convert_element_type3A_96 = arith.extui %lt3A_95 : i1 to i32
          %cond3A_97 = arith.constant 0 : i32
          %cond3A_98 = arith.cmpi ne, %convert_element_type3A_96, %cond3A_97 : i32
          scf.if %cond3A_98 {
            %add3A_101 = arith.constant 2 : i32
            %add3A_102 = arith.addi %scan3A_54, %add3A_101 : i32
            %sub3A_103 = arith.constant 1 : i32
            %sub3A_104 = arith.subi %add3A_102, %sub3A_103 : i32
            %mul3A_105 = arith.constant 2048 : i32
            %mul3A_106 = arith.muli %sub3A_104, %mul3A_105 : i32
            %add3A_107 = arith.constant 0 : i32
            %add3A_108 = arith.addi %add3A_107, %mul3A_106 : i32
            %mul3A_109 = arith.constant 128 : i32
            %mul3A_110 = arith.muli %arg1, %mul3A_109 : i32
            %add3A_111 = arith.addi %add3A_108, %mul3A_110 : i32
            %multiple_of3A_112 = tpu.assume_multiple %add3A_111, 128 : i32
            "tpu.region"() ({
              %run_scoped3A = tpu.sem_alloc : memref<!tpu.dma_semaphore, #tpu.memory_space<semaphore_mem>>
              %dma_start3A_116 = tpu.memref_slice %arg4[%multiple_of3A_112] : memref<755712xi32, #tpu.memory_space<hbm>> -> memref<128xi32, #tpu.memory_space<hbm>>
              %dma_start3A_117 = tpu.memref_slice %arg4[%multiple_of3A_112] : memref<755712xi32, #tpu.memory_space<hbm>> -> memref<128xi32, #tpu.memory_space<hbm>>
              tpu.enqueue_dma source(%dma_start3A_117 : memref<128xi32, #tpu.memory_space<hbm>>) target(%arg19 : memref<128xi32, #tpu.memory_space<vmem>>) target_semaphore(%run_scoped3A : memref<!tpu.dma_semaphore, #tpu.memory_space<semaphore_mem>>)
              %dma_wait3A_118 = tpu.memref_slice %arg4[%multiple_of3A_112] : memref<755712xi32, #tpu.memory_space<hbm>> -> memref<128xi32, #tpu.memory_space<hbm>>
              %dma_wait3A_119 = tpu.memref_slice %arg4[%multiple_of3A_112] : memref<755712xi32, #tpu.memory_space<hbm>> -> memref<128xi32, #tpu.memory_space<hbm>>
              tpu.wait_dma2 semaphore(%run_scoped3A : memref<!tpu.dma_semaphore, #tpu.memory_space<semaphore_mem>>) src(%dma_wait3A_119 : memref<128xi32, #tpu.memory_space<hbm>>) dst(%arg19 : memref<128xi32, #tpu.memory_space<vmem>>)
              tpu.yield
            }) : () -> ()
            "tpu.region"() ({
              %run_scoped3A = tpu.sem_alloc : memref<!tpu.dma_semaphore, #tpu.memory_space<semaphore_mem>>
              %dma_start3A_116 = tpu.memref_slice %arg5[%multiple_of3A_112] : memref<755712xi32, #tpu.memory_space<hbm>> -> memref<128xi32, #tpu.memory_space<hbm>>
              %dma_start3A_117 = tpu.memref_slice %arg5[%multiple_of3A_112] : memref<755712xi32, #tpu.memory_space<hbm>> -> memref<128xi32, #tpu.memory_space<hbm>>
              tpu.enqueue_dma source(%dma_start3A_117 : memref<128xi32, #tpu.memory_space<hbm>>) target(%arg20 : memref<128xi32, #tpu.memory_space<vmem>>) target_semaphore(%run_scoped3A : memref<!tpu.dma_semaphore, #tpu.memory_space<semaphore_mem>>)
              %dma_wait3A_118 = tpu.memref_slice %arg5[%multiple_of3A_112] : memref<755712xi32, #tpu.memory_space<hbm>> -> memref<128xi32, #tpu.memory_space<hbm>>
              %dma_wait3A_119 = tpu.memref_slice %arg5[%multiple_of3A_112] : memref<755712xi32, #tpu.memory_space<hbm>> -> memref<128xi32, #tpu.memory_space<hbm>>
              tpu.wait_dma2 semaphore(%run_scoped3A : memref<!tpu.dma_semaphore, #tpu.memory_space<semaphore_mem>>) src(%dma_wait3A_119 : memref<128xi32, #tpu.memory_space<hbm>>) dst(%arg20 : memref<128xi32, #tpu.memory_space<vmem>>)
              tpu.yield
            }) : () -> ()
            %dma_start3A_113 = arith.constant 0 : i32
            %dma_start3A_114 = arith.constant 0 : i32
            %dma_start3A_115 = tpu.memref_slice %arg2[%dma_start3A_113, %dma_start3A_114] : memref<25000x64xf32, #tpu.memory_space<hbm>> -> memref<25000x64xf32, #tpu.memory_space<hbm>>
            tpu.enqueue_indirect_dma source(%dma_start3A_115 : memref<25000x64xf32, #tpu.memory_space<hbm>>) target(%arg21 : memref<128x64xf32, #tpu.memory_space<vmem>>) offsets(%arg20 : memref<128xi32, #tpu.memory_space<vmem>>) semaphore(%arg22 : memref<!tpu.dma_semaphore, #tpu.memory_space<semaphore_mem>>)
          } else {
          }
          %dma_wait3A = arith.constant 0 : i32
          %dma_wait3A_99 = arith.constant 0 : i32
          %dma_wait3A_100 = tpu.memref_slice %arg2[%dma_wait3A, %dma_wait3A_99] : memref<25000x64xf32, #tpu.memory_space<hbm>> -> memref<25000x64xf32, #tpu.memory_space<hbm>>
          tpu.wait_indirect_dma semaphore(%arg18 : memref<!tpu.dma_semaphore, #tpu.memory_space<semaphore_mem>>) src(%dma_wait3A_100 : memref<25000x64xf32, #tpu.memory_space<hbm>>) dst(%arg17 : memref<128x64xf32, #tpu.memory_space<vmem>>)
          "tpu.region"() ({
            %run_scoped3A = tpu.sem_alloc : memref<!tpu.dma_semaphore, #tpu.memory_space<semaphore_mem>>
            %dma_start3A_101 = arith.constant 0 : i32
            %dma_start3A_102 = arith.constant 0 : i32
            %dma_start3A_103 = tpu.memref_slice %arg14[%dma_start3A_101, %dma_start3A_102] : memref<25088x64xf32, #tpu.memory_space<vmem_shared>> -> memref<25088x64xf32, #tpu.memory_space<vmem_shared>>
            tpu.enqueue_indirect_dma source(%arg17 : memref<128x64xf32, #tpu.memory_space<vmem>>) target(%dma_start3A_103 : memref<25088x64xf32, #tpu.memory_space<vmem_shared>>) offsets(%arg15 : memref<128xi32, #tpu.memory_space<vmem>>) semaphore(%run_scoped3A : memref<!tpu.dma_semaphore, #tpu.memory_space<semaphore_mem>>) {add = true}
            %dma_wait3A_104 = arith.constant 0 : i32
            %dma_wait3A_105 = arith.constant 0 : i32
            %dma_wait3A_106 = tpu.memref_slice %arg14[%dma_wait3A_104, %dma_wait3A_105] : memref<25088x64xf32, #tpu.memory_space<vmem_shared>> -> memref<25088x64xf32, #tpu.memory_space<vmem_shared>>
            tpu.wait_indirect_dma semaphore(%run_scoped3A : memref<!tpu.dma_semaphore, #tpu.memory_space<semaphore_mem>>) src(%arg17 : memref<128x64xf32, #tpu.memory_space<vmem>>) dst(%dma_wait3A_106 : memref<25088x64xf32, #tpu.memory_space<vmem_shared>>)
            tpu.yield
          }) : () -> ()
        } else {
        }
        %jit3A_70 = arith.constant 2 : i32
        %eq3A_71 = arith.constant 0 : i32
        %eq3A_72 = arith.cmpi eq, %jit3A_70, %eq3A_71 : i32
        %jit3A_73 = arith.constant 1 : i32
        %select_n3A_74 = arith.select %eq3A_72, %jit3A_73, %jit3A_70 : i32
        %rem3A_75 = arith.remsi %scan3A_54, %select_n3A_74 : i32
        %ne3A_76 = arith.constant 0 : i32
        %ne3A_77 = arith.cmpi ne, %rem3A_75, %ne3A_76 : i32
        %lt3A_78 = arith.constant 0 : i32
        %lt3A_79 = arith.cmpi slt, %rem3A_75, %lt3A_78 : i32
        %lt3A_80 = arith.constant 0 : i32
        %lt3A_81 = arith.cmpi slt, %select_n3A_74, %lt3A_80 : i32
        %ne3A_82 = arith.xori %lt3A_79, %lt3A_81 : i1
        %and3A_83 = arith.andi %ne3A_82, %ne3A_77 : i1
        %add3A_84 = arith.addi %rem3A_75, %select_n3A_74 : i32
        %select_n3A_85 = arith.select %and3A_83, %add3A_84, %rem3A_75 : i32
        %eq3A_86 = arith.constant 1 : i32
        %eq3A_87 = arith.cmpi eq, %select_n3A_85, %eq3A_86 : i32
        %convert_element_type3A_88 = arith.extui %eq3A_87 : i1 to i32
        %cond3A_89 = arith.constant 0 : i32
        %cond3A_90 = arith.cmpi ne, %convert_element_type3A_88, %cond3A_89 : i32
        scf.if %cond3A_90 {
          %add3A_91 = arith.constant 2 : i32
          %add3A_92 = arith.addi %scan3A_54, %add3A_91 : i32
          %sub3A = arith.constant 1 : i32
          %sub3A_93 = arith.subi %add3A_92, %sub3A : i32
          %lt3A_94 = arith.constant 123 : i32
          %lt3A_95 = arith.cmpi slt, %sub3A_93, %lt3A_94 : i32
          %convert_element_type3A_96 = arith.extui %lt3A_95 : i1 to i32
          %cond3A_97 = arith.constant 0 : i32
          %cond3A_98 = arith.cmpi ne, %convert_element_type3A_96, %cond3A_97 : i32
          scf.if %cond3A_98 {
            %add3A_101 = arith.constant 2 : i32
            %add3A_102 = arith.addi %scan3A_54, %add3A_101 : i32
            %sub3A_103 = arith.constant 1 : i32
            %sub3A_104 = arith.subi %add3A_102, %sub3A_103 : i32
            %mul3A_105 = arith.constant 2048 : i32
            %mul3A_106 = arith.muli %sub3A_104, %mul3A_105 : i32
            %add3A_107 = arith.constant 0 : i32
            %add3A_108 = arith.addi %add3A_107, %mul3A_106 : i32
            %mul3A_109 = arith.constant 128 : i32
            %mul3A_110 = arith.muli %arg1, %mul3A_109 : i32
            %add3A_111 = arith.addi %add3A_108, %mul3A_110 : i32
            %multiple_of3A_112 = tpu.assume_multiple %add3A_111, 128 : i32
            "tpu.region"() ({
              %run_scoped3A = tpu.sem_alloc : memref<!tpu.dma_semaphore, #tpu.memory_space<semaphore_mem>>
              %dma_start3A_116 = tpu.memref_slice %arg4[%multiple_of3A_112] : memref<755712xi32, #tpu.memory_space<hbm>> -> memref<128xi32, #tpu.memory_space<hbm>>
              %dma_start3A_117 = tpu.memref_slice %arg4[%multiple_of3A_112] : memref<755712xi32, #tpu.memory_space<hbm>> -> memref<128xi32, #tpu.memory_space<hbm>>
              tpu.enqueue_dma source(%dma_start3A_117 : memref<128xi32, #tpu.memory_space<hbm>>) target(%arg15 : memref<128xi32, #tpu.memory_space<vmem>>) target_semaphore(%run_scoped3A : memref<!tpu.dma_semaphore, #tpu.memory_space<semaphore_mem>>)
              %dma_wait3A_118 = tpu.memref_slice %arg4[%multiple_of3A_112] : memref<755712xi32, #tpu.memory_space<hbm>> -> memref<128xi32, #tpu.memory_space<hbm>>
              %dma_wait3A_119 = tpu.memref_slice %arg4[%multiple_of3A_112] : memref<755712xi32, #tpu.memory_space<hbm>> -> memref<128xi32, #tpu.memory_space<hbm>>
              tpu.wait_dma2 semaphore(%run_scoped3A : memref<!tpu.dma_semaphore, #tpu.memory_space<semaphore_mem>>) src(%dma_wait3A_119 : memref<128xi32, #tpu.memory_space<hbm>>) dst(%arg15 : memref<128xi32, #tpu.memory_space<vmem>>)
              tpu.yield
            }) : () -> ()
            "tpu.region"() ({
              %run_scoped3A = tpu.sem_alloc : memref<!tpu.dma_semaphore, #tpu.memory_space<semaphore_mem>>
              %dma_start3A_116 = tpu.memref_slice %arg5[%multiple_of3A_112] : memref<755712xi32, #tpu.memory_space<hbm>> -> memref<128xi32, #tpu.memory_space<hbm>>
              %dma_start3A_117 = tpu.memref_slice %arg5[%multiple_of3A_112] : memref<755712xi32, #tpu.memory_space<hbm>> -> memref<128xi32, #tpu.memory_space<hbm>>
              tpu.enqueue_dma source(%dma_start3A_117 : memref<128xi32, #tpu.memory_space<hbm>>) target(%arg16 : memref<128xi32, #tpu.memory_space<vmem>>) target_semaphore(%run_scoped3A : memref<!tpu.dma_semaphore, #tpu.memory_space<semaphore_mem>>)
              %dma_wait3A_118 = tpu.memref_slice %arg5[%multiple_of3A_112] : memref<755712xi32, #tpu.memory_space<hbm>> -> memref<128xi32, #tpu.memory_space<hbm>>
              %dma_wait3A_119 = tpu.memref_slice %arg5[%multiple_of3A_112] : memref<755712xi32, #tpu.memory_space<hbm>> -> memref<128xi32, #tpu.memory_space<hbm>>
              tpu.wait_dma2 semaphore(%run_scoped3A : memref<!tpu.dma_semaphore, #tpu.memory_space<semaphore_mem>>) src(%dma_wait3A_119 : memref<128xi32, #tpu.memory_space<hbm>>) dst(%arg16 : memref<128xi32, #tpu.memory_space<vmem>>)
              tpu.yield
            }) : () -> ()
            %dma_start3A_113 = arith.constant 0 : i32
            %dma_start3A_114 = arith.constant 0 : i32
            %dma_start3A_115 = tpu.memref_slice %arg2[%dma_start3A_113, %dma_start3A_114] : memref<25000x64xf32, #tpu.memory_space<hbm>> -> memref<25000x64xf32, #tpu.memory_space<hbm>>
            tpu.enqueue_indirect_dma source(%dma_start3A_115 : memref<25000x64xf32, #tpu.memory_space<hbm>>) target(%arg17 : memref<128x64xf32, #tpu.memory_space<vmem>>) offsets(%arg16 : memref<128xi32, #tpu.memory_space<vmem>>) semaphore(%arg18 : memref<!tpu.dma_semaphore, #tpu.memory_space<semaphore_mem>>)
          } else {
          }
          %dma_wait3A = arith.constant 0 : i32
          %dma_wait3A_99 = arith.constant 0 : i32
          %dma_wait3A_100 = tpu.memref_slice %arg2[%dma_wait3A, %dma_wait3A_99] : memref<25000x64xf32, #tpu.memory_space<hbm>> -> memref<25000x64xf32, #tpu.memory_space<hbm>>
          tpu.wait_indirect_dma semaphore(%arg22 : memref<!tpu.dma_semaphore, #tpu.memory_space<semaphore_mem>>) src(%dma_wait3A_100 : memref<25000x64xf32, #tpu.memory_space<hbm>>) dst(%arg21 : memref<128x64xf32, #tpu.memory_space<vmem>>)
          "tpu.region"() ({
            %run_scoped3A = tpu.sem_alloc : memref<!tpu.dma_semaphore, #tpu.memory_space<semaphore_mem>>
            %dma_start3A_101 = arith.constant 0 : i32
            %dma_start3A_102 = arith.constant 0 : i32
            %dma_start3A_103 = tpu.memref_slice %arg14[%dma_start3A_101, %dma_start3A_102] : memref<25088x64xf32, #tpu.memory_space<vmem_shared>> -> memref<25088x64xf32, #tpu.memory_space<vmem_shared>>
            tpu.enqueue_indirect_dma source(%arg21 : memref<128x64xf32, #tpu.memory_space<vmem>>) target(%dma_start3A_103 : memref<25088x64xf32, #tpu.memory_space<vmem_shared>>) offsets(%arg19 : memref<128xi32, #tpu.memory_space<vmem>>) semaphore(%run_scoped3A : memref<!tpu.dma_semaphore, #tpu.memory_space<semaphore_mem>>) {add = true}
            %dma_wait3A_104 = arith.constant 0 : i32
            %dma_wait3A_105 = arith.constant 0 : i32
            %dma_wait3A_106 = tpu.memref_slice %arg14[%dma_wait3A_104, %dma_wait3A_105] : memref<25088x64xf32, #tpu.memory_space<vmem_shared>> -> memref<25088x64xf32, #tpu.memory_space<vmem_shared>>
            tpu.wait_indirect_dma semaphore(%run_scoped3A : memref<!tpu.dma_semaphore, #tpu.memory_space<semaphore_mem>>) src(%arg21 : memref<128x64xf32, #tpu.memory_space<vmem>>) dst(%dma_wait3A_106 : memref<25088x64xf32, #tpu.memory_space<vmem_shared>>)
            tpu.yield
          }) : () -> ()
        } else {
        }
      }
      %scan3A_17 = arith.constant 123 : i32
      %barrier3A_18 = arith.constant 0 : index
      tpu.barrier barrier_id(%barrier3A_18)
      "tpu.region"() ({
        %run_scoped3A = tpu.sem_alloc : memref<!tpu.dma_semaphore, #tpu.memory_space<semaphore_mem>>
        %dma_start3A_54 = arith.constant 0 : i32
        %dma_start3A_55 = tpu.memref_slice %arg9[%mul3A_0, %dma_start3A_54] : memref<25088x64xf32, #tpu.memory_space<hbm>> -> memref<1568x64xf32, #tpu.memory_space<hbm>>
        %dma_start3A_56 = arith.constant 0 : i32
        %dma_start3A_57 = tpu.memref_slice %arg14[%mul3A_0, %dma_start3A_56] : memref<25088x64xf32, #tpu.memory_space<vmem_shared>> -> memref<1568x64xf32, #tpu.memory_space<vmem_shared>>
        tpu.enqueue_dma source(%dma_start3A_57 : memref<1568x64xf32, #tpu.memory_space<vmem_shared>>) target(%dma_start3A_55 : memref<1568x64xf32, #tpu.memory_space<hbm>>) target_semaphore(%run_scoped3A : memref<!tpu.dma_semaphore, #tpu.memory_space<semaphore_mem>>)
        %dma_wait3A = arith.constant 0 : i32
        %dma_wait3A_58 = tpu.memref_slice %arg9[%mul3A_0, %dma_wait3A] : memref<25088x64xf32, #tpu.memory_space<hbm>> -> memref<1568x64xf32, #tpu.memory_space<hbm>>
        %dma_wait3A_59 = arith.constant 0 : i32
        %dma_wait3A_60 = tpu.memref_slice %arg14[%mul3A_0, %dma_wait3A_59] : memref<25088x64xf32, #tpu.memory_space<vmem_shared>> -> memref<1568x64xf32, #tpu.memory_space<vmem_shared>>
        tpu.wait_dma2 semaphore(%run_scoped3A : memref<!tpu.dma_semaphore, #tpu.memory_space<semaphore_mem>>) src(%dma_wait3A_60 : memref<1568x64xf32, #tpu.memory_space<vmem_shared>>) dst(%dma_wait3A_58 : memref<1568x64xf32, #tpu.memory_space<hbm>>)
        tpu.yield
      }) : () -> ()
      %barrier3A_19 = arith.constant 0 : index
      tpu.barrier barrier_id(%barrier3A_19)
      "tpu.region"() ({
        %run_scoped3A = tpu.sem_alloc : memref<!tpu.dma_semaphore, #tpu.memory_space<semaphore_mem>>
        %dma_start3A_54 = arith.constant 0 : i32
        %dma_start3A_55 = tpu.memref_slice %arg14[%mul3A_0, %dma_start3A_54] : memref<25088x64xf32, #tpu.memory_space<vmem_shared>> -> memref<1568x64xf32, #tpu.memory_space<vmem_shared>>
        tpu.enqueue_dma source(%arg8 : memref<1568x64xf32, #tpu.memory_space<hbm>>) target(%dma_start3A_55 : memref<1568x64xf32, #tpu.memory_space<vmem_shared>>) target_semaphore(%run_scoped3A : memref<!tpu.dma_semaphore, #tpu.memory_space<semaphore_mem>>)
        %dma_wait3A = arith.constant 0 : i32
        %dma_wait3A_56 = tpu.memref_slice %arg14[%mul3A_0, %dma_wait3A] : memref<25088x64xf32, #tpu.memory_space<vmem_shared>> -> memref<1568x64xf32, #tpu.memory_space<vmem_shared>>
        tpu.wait_dma2 semaphore(%run_scoped3A : memref<!tpu.dma_semaphore, #tpu.memory_space<semaphore_mem>>) src(%arg8 : memref<1568x64xf32, #tpu.memory_space<hbm>>) dst(%dma_wait3A_56 : memref<1568x64xf32, #tpu.memory_space<vmem_shared>>)
        tpu.yield
      }) : () -> ()
      %barrier3A_20 = arith.constant 0 : index
      tpu.barrier barrier_id(%barrier3A_20)
      %mul3A_21 = arith.constant 128 : i32
      %mul3A_22 = arith.muli %arg1, %mul3A_21 : i32
      %add3A_23 = arith.constant 251904 : i32
      %add3A_24 = arith.addi %add3A_23, %mul3A_22 : i32
      %multiple_of3A_25 = tpu.assume_multiple %add3A_24, 128 : i32
      "tpu.region"() ({
        %run_scoped3A = tpu.sem_alloc : memref<!tpu.dma_semaphore, #tpu.memory_space<semaphore_mem>>
        %dma_start3A_54 = tpu.memref_slice %arg4[%multiple_of3A_25] : memref<755712xi32, #tpu.memory_space<hbm>> -> memref<128xi32, #tpu.memory_space<hbm>>
        %dma_start3A_55 = tpu.memref_slice %arg4[%multiple_of3A_25] : memref<755712xi32, #tpu.memory_space<hbm>> -> memref<128xi32, #tpu.memory_space<hbm>>
        tpu.enqueue_dma source(%dma_start3A_55 : memref<128xi32, #tpu.memory_space<hbm>>) target(%arg15 : memref<128xi32, #tpu.memory_space<vmem>>) target_semaphore(%run_scoped3A : memref<!tpu.dma_semaphore, #tpu.memory_space<semaphore_mem>>)
        %dma_wait3A = tpu.memref_slice %arg4[%multiple_of3A_25] : memref<755712xi32, #tpu.memory_space<hbm>> -> memref<128xi32, #tpu.memory_space<hbm>>
        %dma_wait3A_56 = tpu.memref_slice %arg4[%multiple_of3A_25] : memref<755712xi32, #tpu.memory_space<hbm>> -> memref<128xi32, #tpu.memory_space<hbm>>
        tpu.wait_dma2 semaphore(%run_scoped3A : memref<!tpu.dma_semaphore, #tpu.memory_space<semaphore_mem>>) src(%dma_wait3A_56 : memref<128xi32, #tpu.memory_space<hbm>>) dst(%arg15 : memref<128xi32, #tpu.memory_space<vmem>>)
        tpu.yield
      }) : () -> ()
      "tpu.region"() ({
        %run_scoped3A = tpu.sem_alloc : memref<!tpu.dma_semaphore, #tpu.memory_space<semaphore_mem>>
        %dma_start3A_54 = tpu.memref_slice %arg5[%multiple_of3A_25] : memref<755712xi32, #tpu.memory_space<hbm>> -> memref<128xi32, #tpu.memory_space<hbm>>
        %dma_start3A_55 = tpu.memref_slice %arg5[%multiple_of3A_25] : memref<755712xi32, #tpu.memory_space<hbm>> -> memref<128xi32, #tpu.memory_space<hbm>>
        tpu.enqueue_dma source(%dma_start3A_55 : memref<128xi32, #tpu.memory_space<hbm>>) target(%arg16 : memref<128xi32, #tpu.memory_space<vmem>>) target_semaphore(%run_scoped3A : memref<!tpu.dma_semaphore, #tpu.memory_space<semaphore_mem>>)
        %dma_wait3A = tpu.memref_slice %arg5[%multiple_of3A_25] : memref<755712xi32, #tpu.memory_space<hbm>> -> memref<128xi32, #tpu.memory_space<hbm>>
        %dma_wait3A_56 = tpu.memref_slice %arg5[%multiple_of3A_25] : memref<755712xi32, #tpu.memory_space<hbm>> -> memref<128xi32, #tpu.memory_space<hbm>>
        tpu.wait_dma2 semaphore(%run_scoped3A : memref<!tpu.dma_semaphore, #tpu.memory_space<semaphore_mem>>) src(%dma_wait3A_56 : memref<128xi32, #tpu.memory_space<hbm>>) dst(%arg16 : memref<128xi32, #tpu.memory_space<vmem>>)
        tpu.yield
      }) : () -> ()
      %dma_start3A_26 = arith.constant 0 : i32
      %dma_start3A_27 = arith.constant 0 : i32
      %dma_start3A_28 = tpu.memref_slice %arg2[%dma_start3A_26, %dma_start3A_27] : memref<25000x64xf32, #tpu.memory_space<hbm>> -> memref<25000x64xf32, #tpu.memory_space<hbm>>
      tpu.enqueue_indirect_dma source(%dma_start3A_28 : memref<25000x64xf32, #tpu.memory_space<hbm>>) target(%arg17 : memref<128x64xf32, #tpu.memory_space<vmem>>) offsets(%arg16 : memref<128xi32, #tpu.memory_space<vmem>>) semaphore(%arg18 : memref<!tpu.dma_semaphore, #tpu.memory_space<semaphore_mem>>)
      %scan3A_29 = arith.constant 0 : i32
      %scan3A_30 = arith.constant 0 : i32
      %scan3A_31 = arith.constant 123 : i32
      %scan3A_32 = arith.addi %scan3A_30, %scan3A_31 : i32
      %scan3A_33 = arith.constant 1 : i32
      scf.for %scan3A_54 = %scan3A_30 to %scan3A_32 step %scan3A_33  : i32 {
        %jit3A = arith.constant 2 : i32
        %eq3A_55 = arith.constant 0 : i32
        %eq3A_56 = arith.cmpi eq, %jit3A, %eq3A_55 : i32
        %jit3A_57 = arith.constant 1 : i32
        %select_n3A = arith.select %eq3A_56, %jit3A_57, %jit3A : i32
        %rem3A = arith.remsi %scan3A_54, %select_n3A : i32
        %ne3A = arith.constant 0 : i32
        %ne3A_58 = arith.cmpi ne, %rem3A, %ne3A : i32
        %lt3A = arith.constant 0 : i32
        %lt3A_59 = arith.cmpi slt, %rem3A, %lt3A : i32
        %lt3A_60 = arith.constant 0 : i32
        %lt3A_61 = arith.cmpi slt, %select_n3A, %lt3A_60 : i32
        %ne3A_62 = arith.xori %lt3A_59, %lt3A_61 : i1
        %and3A = arith.andi %ne3A_62, %ne3A_58 : i1
        %add3A_63 = arith.addi %rem3A, %select_n3A : i32
        %select_n3A_64 = arith.select %and3A, %add3A_63, %rem3A : i32
        %eq3A_65 = arith.constant 0 : i32
        %eq3A_66 = arith.cmpi eq, %select_n3A_64, %eq3A_65 : i32
        %convert_element_type3A_67 = arith.extui %eq3A_66 : i1 to i32
        %cond3A_68 = arith.constant 0 : i32
        %cond3A_69 = arith.cmpi ne, %convert_element_type3A_67, %cond3A_68 : i32
        scf.if %cond3A_69 {
          %add3A_91 = arith.constant 2 : i32
          %add3A_92 = arith.addi %scan3A_54, %add3A_91 : i32
          %sub3A = arith.constant 1 : i32
          %sub3A_93 = arith.subi %add3A_92, %sub3A : i32
          %lt3A_94 = arith.constant 123 : i32
          %lt3A_95 = arith.cmpi slt, %sub3A_93, %lt3A_94 : i32
          %convert_element_type3A_96 = arith.extui %lt3A_95 : i1 to i32
          %cond3A_97 = arith.constant 0 : i32
          %cond3A_98 = arith.cmpi ne, %convert_element_type3A_96, %cond3A_97 : i32
          scf.if %cond3A_98 {
            %add3A_101 = arith.constant 2 : i32
            %add3A_102 = arith.addi %scan3A_54, %add3A_101 : i32
            %sub3A_103 = arith.constant 1 : i32
            %sub3A_104 = arith.subi %add3A_102, %sub3A_103 : i32
            %mul3A_105 = arith.constant 2048 : i32
            %mul3A_106 = arith.muli %sub3A_104, %mul3A_105 : i32
            %add3A_107 = arith.constant 251904 : i32
            %add3A_108 = arith.addi %add3A_107, %mul3A_106 : i32
            %mul3A_109 = arith.constant 128 : i32
            %mul3A_110 = arith.muli %arg1, %mul3A_109 : i32
            %add3A_111 = arith.addi %add3A_108, %mul3A_110 : i32
            %multiple_of3A_112 = tpu.assume_multiple %add3A_111, 128 : i32
            "tpu.region"() ({
              %run_scoped3A = tpu.sem_alloc : memref<!tpu.dma_semaphore, #tpu.memory_space<semaphore_mem>>
              %dma_start3A_116 = tpu.memref_slice %arg4[%multiple_of3A_112] : memref<755712xi32, #tpu.memory_space<hbm>> -> memref<128xi32, #tpu.memory_space<hbm>>
              %dma_start3A_117 = tpu.memref_slice %arg4[%multiple_of3A_112] : memref<755712xi32, #tpu.memory_space<hbm>> -> memref<128xi32, #tpu.memory_space<hbm>>
              tpu.enqueue_dma source(%dma_start3A_117 : memref<128xi32, #tpu.memory_space<hbm>>) target(%arg19 : memref<128xi32, #tpu.memory_space<vmem>>) target_semaphore(%run_scoped3A : memref<!tpu.dma_semaphore, #tpu.memory_space<semaphore_mem>>)
              %dma_wait3A_118 = tpu.memref_slice %arg4[%multiple_of3A_112] : memref<755712xi32, #tpu.memory_space<hbm>> -> memref<128xi32, #tpu.memory_space<hbm>>
              %dma_wait3A_119 = tpu.memref_slice %arg4[%multiple_of3A_112] : memref<755712xi32, #tpu.memory_space<hbm>> -> memref<128xi32, #tpu.memory_space<hbm>>
              tpu.wait_dma2 semaphore(%run_scoped3A : memref<!tpu.dma_semaphore, #tpu.memory_space<semaphore_mem>>) src(%dma_wait3A_119 : memref<128xi32, #tpu.memory_space<hbm>>) dst(%arg19 : memref<128xi32, #tpu.memory_space<vmem>>)
              tpu.yield
            }) : () -> ()
            "tpu.region"() ({
              %run_scoped3A = tpu.sem_alloc : memref<!tpu.dma_semaphore, #tpu.memory_space<semaphore_mem>>
              %dma_start3A_116 = tpu.memref_slice %arg5[%multiple_of3A_112] : memref<755712xi32, #tpu.memory_space<hbm>> -> memref<128xi32, #tpu.memory_space<hbm>>
              %dma_start3A_117 = tpu.memref_slice %arg5[%multiple_of3A_112] : memref<755712xi32, #tpu.memory_space<hbm>> -> memref<128xi32, #tpu.memory_space<hbm>>
              tpu.enqueue_dma source(%dma_start3A_117 : memref<128xi32, #tpu.memory_space<hbm>>) target(%arg20 : memref<128xi32, #tpu.memory_space<vmem>>) target_semaphore(%run_scoped3A : memref<!tpu.dma_semaphore, #tpu.memory_space<semaphore_mem>>)
              %dma_wait3A_118 = tpu.memref_slice %arg5[%multiple_of3A_112] : memref<755712xi32, #tpu.memory_space<hbm>> -> memref<128xi32, #tpu.memory_space<hbm>>
              %dma_wait3A_119 = tpu.memref_slice %arg5[%multiple_of3A_112] : memref<755712xi32, #tpu.memory_space<hbm>> -> memref<128xi32, #tpu.memory_space<hbm>>
              tpu.wait_dma2 semaphore(%run_scoped3A : memref<!tpu.dma_semaphore, #tpu.memory_space<semaphore_mem>>) src(%dma_wait3A_119 : memref<128xi32, #tpu.memory_space<hbm>>) dst(%arg20 : memref<128xi32, #tpu.memory_space<vmem>>)
              tpu.yield
            }) : () -> ()
            %dma_start3A_113 = arith.constant 0 : i32
            %dma_start3A_114 = arith.constant 0 : i32
            %dma_start3A_115 = tpu.memref_slice %arg2[%dma_start3A_113, %dma_start3A_114] : memref<25000x64xf32, #tpu.memory_space<hbm>> -> memref<25000x64xf32, #tpu.memory_space<hbm>>
            tpu.enqueue_indirect_dma source(%dma_start3A_115 : memref<25000x64xf32, #tpu.memory_space<hbm>>) target(%arg21 : memref<128x64xf32, #tpu.memory_space<vmem>>) offsets(%arg20 : memref<128xi32, #tpu.memory_space<vmem>>) semaphore(%arg22 : memref<!tpu.dma_semaphore, #tpu.memory_space<semaphore_mem>>)
          } else {
          }
          %dma_wait3A = arith.constant 0 : i32
          %dma_wait3A_99 = arith.constant 0 : i32
          %dma_wait3A_100 = tpu.memref_slice %arg2[%dma_wait3A, %dma_wait3A_99] : memref<25000x64xf32, #tpu.memory_space<hbm>> -> memref<25000x64xf32, #tpu.memory_space<hbm>>
          tpu.wait_indirect_dma semaphore(%arg18 : memref<!tpu.dma_semaphore, #tpu.memory_space<semaphore_mem>>) src(%dma_wait3A_100 : memref<25000x64xf32, #tpu.memory_space<hbm>>) dst(%arg17 : memref<128x64xf32, #tpu.memory_space<vmem>>)
          "tpu.region"() ({
            %run_scoped3A = tpu.sem_alloc : memref<!tpu.dma_semaphore, #tpu.memory_space<semaphore_mem>>
            %dma_start3A_101 = arith.constant 0 : i32
            %dma_start3A_102 = arith.constant 0 : i32
            %dma_start3A_103 = tpu.memref_slice %arg14[%dma_start3A_101, %dma_start3A_102] : memref<25088x64xf32, #tpu.memory_space<vmem_shared>> -> memref<25088x64xf32, #tpu.memory_space<vmem_shared>>
            tpu.enqueue_indirect_dma source(%arg17 : memref<128x64xf32, #tpu.memory_space<vmem>>) target(%dma_start3A_103 : memref<25088x64xf32, #tpu.memory_space<vmem_shared>>) offsets(%arg15 : memref<128xi32, #tpu.memory_space<vmem>>) semaphore(%run_scoped3A : memref<!tpu.dma_semaphore, #tpu.memory_space<semaphore_mem>>) {add = true}
            %dma_wait3A_104 = arith.constant 0 : i32
            %dma_wait3A_105 = arith.constant 0 : i32
            %dma_wait3A_106 = tpu.memref_slice %arg14[%dma_wait3A_104, %dma_wait3A_105] : memref<25088x64xf32, #tpu.memory_space<vmem_shared>> -> memref<25088x64xf32, #tpu.memory_space<vmem_shared>>
            tpu.wait_indirect_dma semaphore(%run_scoped3A : memref<!tpu.dma_semaphore, #tpu.memory_space<semaphore_mem>>) src(%arg17 : memref<128x64xf32, #tpu.memory_space<vmem>>) dst(%dma_wait3A_106 : memref<25088x64xf32, #tpu.memory_space<vmem_shared>>)
            tpu.yield
          }) : () -> ()
        } else {
        }
        %jit3A_70 = arith.constant 2 : i32
        %eq3A_71 = arith.constant 0 : i32
        %eq3A_72 = arith.cmpi eq, %jit3A_70, %eq3A_71 : i32
        %jit3A_73 = arith.constant 1 : i32
        %select_n3A_74 = arith.select %eq3A_72, %jit3A_73, %jit3A_70 : i32
        %rem3A_75 = arith.remsi %scan3A_54, %select_n3A_74 : i32
        %ne3A_76 = arith.constant 0 : i32
        %ne3A_77 = arith.cmpi ne, %rem3A_75, %ne3A_76 : i32
        %lt3A_78 = arith.constant 0 : i32
        %lt3A_79 = arith.cmpi slt, %rem3A_75, %lt3A_78 : i32
        %lt3A_80 = arith.constant 0 : i32
        %lt3A_81 = arith.cmpi slt, %select_n3A_74, %lt3A_80 : i32
        %ne3A_82 = arith.xori %lt3A_79, %lt3A_81 : i1
        %and3A_83 = arith.andi %ne3A_82, %ne3A_77 : i1
        %add3A_84 = arith.addi %rem3A_75, %select_n3A_74 : i32
        %select_n3A_85 = arith.select %and3A_83, %add3A_84, %rem3A_75 : i32
        %eq3A_86 = arith.constant 1 : i32
        %eq3A_87 = arith.cmpi eq, %select_n3A_85, %eq3A_86 : i32
        %convert_element_type3A_88 = arith.extui %eq3A_87 : i1 to i32
        %cond3A_89 = arith.constant 0 : i32
        %cond3A_90 = arith.cmpi ne, %convert_element_type3A_88, %cond3A_89 : i32
        scf.if %cond3A_90 {
          %add3A_91 = arith.constant 2 : i32
          %add3A_92 = arith.addi %scan3A_54, %add3A_91 : i32
          %sub3A = arith.constant 1 : i32
          %sub3A_93 = arith.subi %add3A_92, %sub3A : i32
          %lt3A_94 = arith.constant 123 : i32
          %lt3A_95 = arith.cmpi slt, %sub3A_93, %lt3A_94 : i32
          %convert_element_type3A_96 = arith.extui %lt3A_95 : i1 to i32
          %cond3A_97 = arith.constant 0 : i32
          %cond3A_98 = arith.cmpi ne, %convert_element_type3A_96, %cond3A_97 : i32
          scf.if %cond3A_98 {
            %add3A_101 = arith.constant 2 : i32
            %add3A_102 = arith.addi %scan3A_54, %add3A_101 : i32
            %sub3A_103 = arith.constant 1 : i32
            %sub3A_104 = arith.subi %add3A_102, %sub3A_103 : i32
            %mul3A_105 = arith.constant 2048 : i32
            %mul3A_106 = arith.muli %sub3A_104, %mul3A_105 : i32
            %add3A_107 = arith.constant 251904 : i32
            %add3A_108 = arith.addi %add3A_107, %mul3A_106 : i32
            %mul3A_109 = arith.constant 128 : i32
            %mul3A_110 = arith.muli %arg1, %mul3A_109 : i32
            %add3A_111 = arith.addi %add3A_108, %mul3A_110 : i32
            %multiple_of3A_112 = tpu.assume_multiple %add3A_111, 128 : i32
            "tpu.region"() ({
              %run_scoped3A = tpu.sem_alloc : memref<!tpu.dma_semaphore, #tpu.memory_space<semaphore_mem>>
              %dma_start3A_116 = tpu.memref_slice %arg4[%multiple_of3A_112] : memref<755712xi32, #tpu.memory_space<hbm>> -> memref<128xi32, #tpu.memory_space<hbm>>
              %dma_start3A_117 = tpu.memref_slice %arg4[%multiple_of3A_112] : memref<755712xi32, #tpu.memory_space<hbm>> -> memref<128xi32, #tpu.memory_space<hbm>>
              tpu.enqueue_dma source(%dma_start3A_117 : memref<128xi32, #tpu.memory_space<hbm>>) target(%arg15 : memref<128xi32, #tpu.memory_space<vmem>>) target_semaphore(%run_scoped3A : memref<!tpu.dma_semaphore, #tpu.memory_space<semaphore_mem>>)
              %dma_wait3A_118 = tpu.memref_slice %arg4[%multiple_of3A_112] : memref<755712xi32, #tpu.memory_space<hbm>> -> memref<128xi32, #tpu.memory_space<hbm>>
              %dma_wait3A_119 = tpu.memref_slice %arg4[%multiple_of3A_112] : memref<755712xi32, #tpu.memory_space<hbm>> -> memref<128xi32, #tpu.memory_space<hbm>>
              tpu.wait_dma2 semaphore(%run_scoped3A : memref<!tpu.dma_semaphore, #tpu.memory_space<semaphore_mem>>) src(%dma_wait3A_119 : memref<128xi32, #tpu.memory_space<hbm>>) dst(%arg15 : memref<128xi32, #tpu.memory_space<vmem>>)
              tpu.yield
            }) : () -> ()
            "tpu.region"() ({
              %run_scoped3A = tpu.sem_alloc : memref<!tpu.dma_semaphore, #tpu.memory_space<semaphore_mem>>
              %dma_start3A_116 = tpu.memref_slice %arg5[%multiple_of3A_112] : memref<755712xi32, #tpu.memory_space<hbm>> -> memref<128xi32, #tpu.memory_space<hbm>>
              %dma_start3A_117 = tpu.memref_slice %arg5[%multiple_of3A_112] : memref<755712xi32, #tpu.memory_space<hbm>> -> memref<128xi32, #tpu.memory_space<hbm>>
              tpu.enqueue_dma source(%dma_start3A_117 : memref<128xi32, #tpu.memory_space<hbm>>) target(%arg16 : memref<128xi32, #tpu.memory_space<vmem>>) target_semaphore(%run_scoped3A : memref<!tpu.dma_semaphore, #tpu.memory_space<semaphore_mem>>)
              %dma_wait3A_118 = tpu.memref_slice %arg5[%multiple_of3A_112] : memref<755712xi32, #tpu.memory_space<hbm>> -> memref<128xi32, #tpu.memory_space<hbm>>
              %dma_wait3A_119 = tpu.memref_slice %arg5[%multiple_of3A_112] : memref<755712xi32, #tpu.memory_space<hbm>> -> memref<128xi32, #tpu.memory_space<hbm>>
              tpu.wait_dma2 semaphore(%run_scoped3A : memref<!tpu.dma_semaphore, #tpu.memory_space<semaphore_mem>>) src(%dma_wait3A_119 : memref<128xi32, #tpu.memory_space<hbm>>) dst(%arg16 : memref<128xi32, #tpu.memory_space<vmem>>)
              tpu.yield
            }) : () -> ()
            %dma_start3A_113 = arith.constant 0 : i32
            %dma_start3A_114 = arith.constant 0 : i32
            %dma_start3A_115 = tpu.memref_slice %arg2[%dma_start3A_113, %dma_start3A_114] : memref<25000x64xf32, #tpu.memory_space<hbm>> -> memref<25000x64xf32, #tpu.memory_space<hbm>>
            tpu.enqueue_indirect_dma source(%dma_start3A_115 : memref<25000x64xf32, #tpu.memory_space<hbm>>) target(%arg17 : memref<128x64xf32, #tpu.memory_space<vmem>>) offsets(%arg16 : memref<128xi32, #tpu.memory_space<vmem>>) semaphore(%arg18 : memref<!tpu.dma_semaphore, #tpu.memory_space<semaphore_mem>>)
          } else {
          }
          %dma_wait3A = arith.constant 0 : i32
          %dma_wait3A_99 = arith.constant 0 : i32
          %dma_wait3A_100 = tpu.memref_slice %arg2[%dma_wait3A, %dma_wait3A_99] : memref<25000x64xf32, #tpu.memory_space<hbm>> -> memref<25000x64xf32, #tpu.memory_space<hbm>>
          tpu.wait_indirect_dma semaphore(%arg22 : memref<!tpu.dma_semaphore, #tpu.memory_space<semaphore_mem>>) src(%dma_wait3A_100 : memref<25000x64xf32, #tpu.memory_space<hbm>>) dst(%arg21 : memref<128x64xf32, #tpu.memory_space<vmem>>)
          "tpu.region"() ({
            %run_scoped3A = tpu.sem_alloc : memref<!tpu.dma_semaphore, #tpu.memory_space<semaphore_mem>>
            %dma_start3A_101 = arith.constant 0 : i32
            %dma_start3A_102 = arith.constant 0 : i32
            %dma_start3A_103 = tpu.memref_slice %arg14[%dma_start3A_101, %dma_start3A_102] : memref<25088x64xf32, #tpu.memory_space<vmem_shared>> -> memref<25088x64xf32, #tpu.memory_space<vmem_shared>>
            tpu.enqueue_indirect_dma source(%arg21 : memref<128x64xf32, #tpu.memory_space<vmem>>) target(%dma_start3A_103 : memref<25088x64xf32, #tpu.memory_space<vmem_shared>>) offsets(%arg19 : memref<128xi32, #tpu.memory_space<vmem>>) semaphore(%run_scoped3A : memref<!tpu.dma_semaphore, #tpu.memory_space<semaphore_mem>>) {add = true}
            %dma_wait3A_104 = arith.constant 0 : i32
            %dma_wait3A_105 = arith.constant 0 : i32
            %dma_wait3A_106 = tpu.memref_slice %arg14[%dma_wait3A_104, %dma_wait3A_105] : memref<25088x64xf32, #tpu.memory_space<vmem_shared>> -> memref<25088x64xf32, #tpu.memory_space<vmem_shared>>
            tpu.wait_indirect_dma semaphore(%run_scoped3A : memref<!tpu.dma_semaphore, #tpu.memory_space<semaphore_mem>>) src(%arg21 : memref<128x64xf32, #tpu.memory_space<vmem>>) dst(%dma_wait3A_106 : memref<25088x64xf32, #tpu.memory_space<vmem_shared>>)
            tpu.yield
          }) : () -> ()
        } else {
        }
      }
      %scan3A_34 = arith.constant 123 : i32
      %barrier3A_35 = arith.constant 0 : index
      tpu.barrier barrier_id(%barrier3A_35)
      "tpu.region"() ({
        %run_scoped3A = tpu.sem_alloc : memref<!tpu.dma_semaphore, #tpu.memory_space<semaphore_mem>>
        %dma_start3A_54 = arith.constant 0 : i32
        %dma_start3A_55 = tpu.memref_slice %arg10[%mul3A_0, %dma_start3A_54] : memref<25088x64xf32, #tpu.memory_space<hbm>> -> memref<1568x64xf32, #tpu.memory_space<hbm>>
        %dma_start3A_56 = arith.constant 0 : i32
        %dma_start3A_57 = tpu.memref_slice %arg14[%mul3A_0, %dma_start3A_56] : memref<25088x64xf32, #tpu.memory_space<vmem_shared>> -> memref<1568x64xf32, #tpu.memory_space<vmem_shared>>
        tpu.enqueue_dma source(%dma_start3A_57 : memref<1568x64xf32, #tpu.memory_space<vmem_shared>>) target(%dma_start3A_55 : memref<1568x64xf32, #tpu.memory_space<hbm>>) target_semaphore(%run_scoped3A : memref<!tpu.dma_semaphore, #tpu.memory_space<semaphore_mem>>)
        %dma_wait3A = arith.constant 0 : i32
        %dma_wait3A_58 = tpu.memref_slice %arg10[%mul3A_0, %dma_wait3A] : memref<25088x64xf32, #tpu.memory_space<hbm>> -> memref<1568x64xf32, #tpu.memory_space<hbm>>
        %dma_wait3A_59 = arith.constant 0 : i32
        %dma_wait3A_60 = tpu.memref_slice %arg14[%mul3A_0, %dma_wait3A_59] : memref<25088x64xf32, #tpu.memory_space<vmem_shared>> -> memref<1568x64xf32, #tpu.memory_space<vmem_shared>>
        tpu.wait_dma2 semaphore(%run_scoped3A : memref<!tpu.dma_semaphore, #tpu.memory_space<semaphore_mem>>) src(%dma_wait3A_60 : memref<1568x64xf32, #tpu.memory_space<vmem_shared>>) dst(%dma_wait3A_58 : memref<1568x64xf32, #tpu.memory_space<hbm>>)
        tpu.yield
      }) : () -> ()
      %barrier3A_36 = arith.constant 0 : index
      tpu.barrier barrier_id(%barrier3A_36)
      "tpu.region"() ({
        %run_scoped3A = tpu.sem_alloc : memref<!tpu.dma_semaphore, #tpu.memory_space<semaphore_mem>>
        %dma_start3A_54 = arith.constant 0 : i32
        %dma_start3A_55 = tpu.memref_slice %arg14[%mul3A_0, %dma_start3A_54] : memref<25088x64xf32, #tpu.memory_space<vmem_shared>> -> memref<1568x64xf32, #tpu.memory_space<vmem_shared>>
        tpu.enqueue_dma source(%arg8 : memref<1568x64xf32, #tpu.memory_space<hbm>>) target(%dma_start3A_55 : memref<1568x64xf32, #tpu.memory_space<vmem_shared>>) target_semaphore(%run_scoped3A : memref<!tpu.dma_semaphore, #tpu.memory_space<semaphore_mem>>)
        %dma_wait3A = arith.constant 0 : i32
        %dma_wait3A_56 = tpu.memref_slice %arg14[%mul3A_0, %dma_wait3A] : memref<25088x64xf32, #tpu.memory_space<vmem_shared>> -> memref<1568x64xf32, #tpu.memory_space<vmem_shared>>
        tpu.wait_dma2 semaphore(%run_scoped3A : memref<!tpu.dma_semaphore, #tpu.memory_space<semaphore_mem>>) src(%arg8 : memref<1568x64xf32, #tpu.memory_space<hbm>>) dst(%dma_wait3A_56 : memref<1568x64xf32, #tpu.memory_space<vmem_shared>>)
        tpu.yield
      }) : () -> ()
      %barrier3A_37 = arith.constant 0 : index
      tpu.barrier barrier_id(%barrier3A_37)
      %mul3A_38 = arith.constant 128 : i32
      %mul3A_39 = arith.muli %arg1, %mul3A_38 : i32
      %add3A_40 = arith.constant 0 : i32
      %add3A_41 = arith.addi %add3A_40, %mul3A_39 : i32
      %multiple_of3A_42 = tpu.assume_multiple %add3A_41, 128 : i32
      "tpu.region"() ({
        %run_scoped3A = tpu.sem_alloc : memref<!tpu.dma_semaphore, #tpu.memory_space<semaphore_mem>>
        %dma_start3A_54 = tpu.memref_slice %arg6[%multiple_of3A_42] : memref<501760xi32, #tpu.memory_space<hbm>> -> memref<128xi32, #tpu.memory_space<hbm>>
        %dma_start3A_55 = tpu.memref_slice %arg6[%multiple_of3A_42] : memref<501760xi32, #tpu.memory_space<hbm>> -> memref<128xi32, #tpu.memory_space<hbm>>
        tpu.enqueue_dma source(%dma_start3A_55 : memref<128xi32, #tpu.memory_space<hbm>>) target(%arg15 : memref<128xi32, #tpu.memory_space<vmem>>) target_semaphore(%run_scoped3A : memref<!tpu.dma_semaphore, #tpu.memory_space<semaphore_mem>>)
        %dma_wait3A = tpu.memref_slice %arg6[%multiple_of3A_42] : memref<501760xi32, #tpu.memory_space<hbm>> -> memref<128xi32, #tpu.memory_space<hbm>>
        %dma_wait3A_56 = tpu.memref_slice %arg6[%multiple_of3A_42] : memref<501760xi32, #tpu.memory_space<hbm>> -> memref<128xi32, #tpu.memory_space<hbm>>
        tpu.wait_dma2 semaphore(%run_scoped3A : memref<!tpu.dma_semaphore, #tpu.memory_space<semaphore_mem>>) src(%dma_wait3A_56 : memref<128xi32, #tpu.memory_space<hbm>>) dst(%arg15 : memref<128xi32, #tpu.memory_space<vmem>>)
        tpu.yield
      }) : () -> ()
      "tpu.region"() ({
        %run_scoped3A = tpu.sem_alloc : memref<!tpu.dma_semaphore, #tpu.memory_space<semaphore_mem>>
        %dma_start3A_54 = tpu.memref_slice %arg7[%multiple_of3A_42] : memref<501760xi32, #tpu.memory_space<hbm>> -> memref<128xi32, #tpu.memory_space<hbm>>
        %dma_start3A_55 = tpu.memref_slice %arg7[%multiple_of3A_42] : memref<501760xi32, #tpu.memory_space<hbm>> -> memref<128xi32, #tpu.memory_space<hbm>>
        tpu.enqueue_dma source(%dma_start3A_55 : memref<128xi32, #tpu.memory_space<hbm>>) target(%arg16 : memref<128xi32, #tpu.memory_space<vmem>>) target_semaphore(%run_scoped3A : memref<!tpu.dma_semaphore, #tpu.memory_space<semaphore_mem>>)
        %dma_wait3A = tpu.memref_slice %arg7[%multiple_of3A_42] : memref<501760xi32, #tpu.memory_space<hbm>> -> memref<128xi32, #tpu.memory_space<hbm>>
        %dma_wait3A_56 = tpu.memref_slice %arg7[%multiple_of3A_42] : memref<501760xi32, #tpu.memory_space<hbm>> -> memref<128xi32, #tpu.memory_space<hbm>>
        tpu.wait_dma2 semaphore(%run_scoped3A : memref<!tpu.dma_semaphore, #tpu.memory_space<semaphore_mem>>) src(%dma_wait3A_56 : memref<128xi32, #tpu.memory_space<hbm>>) dst(%arg16 : memref<128xi32, #tpu.memory_space<vmem>>)
        tpu.yield
      }) : () -> ()
      %dma_start3A_43 = arith.constant 0 : i32
      %dma_start3A_44 = arith.constant 0 : i32
      %dma_start3A_45 = tpu.memref_slice %arg3[%dma_start3A_43, %dma_start3A_44] : memref<50000x64xf32, #tpu.memory_space<hbm>> -> memref<50000x64xf32, #tpu.memory_space<hbm>>
      tpu.enqueue_indirect_dma source(%dma_start3A_45 : memref<50000x64xf32, #tpu.memory_space<hbm>>) target(%arg17 : memref<128x64xf32, #tpu.memory_space<vmem>>) offsets(%arg16 : memref<128xi32, #tpu.memory_space<vmem>>) semaphore(%arg18 : memref<!tpu.dma_semaphore, #tpu.memory_space<semaphore_mem>>)
      %scan3A_46 = arith.constant 0 : i32
      %scan3A_47 = arith.constant 0 : i32
      %scan3A_48 = arith.constant 61 : i32
      %scan3A_49 = arith.addi %scan3A_47, %scan3A_48 : i32
      %scan3A_50 = arith.constant 1 : i32
      scf.for %scan3A_54 = %scan3A_47 to %scan3A_49 step %scan3A_50  : i32 {
        %jit3A = arith.constant 2 : i32
        %eq3A_55 = arith.constant 0 : i32
        %eq3A_56 = arith.cmpi eq, %jit3A, %eq3A_55 : i32
        %jit3A_57 = arith.constant 1 : i32
        %select_n3A = arith.select %eq3A_56, %jit3A_57, %jit3A : i32
        %rem3A = arith.remsi %scan3A_54, %select_n3A : i32
        %ne3A = arith.constant 0 : i32
        %ne3A_58 = arith.cmpi ne, %rem3A, %ne3A : i32
        %lt3A = arith.constant 0 : i32
        %lt3A_59 = arith.cmpi slt, %rem3A, %lt3A : i32
        %lt3A_60 = arith.constant 0 : i32
        %lt3A_61 = arith.cmpi slt, %select_n3A, %lt3A_60 : i32
        %ne3A_62 = arith.xori %lt3A_59, %lt3A_61 : i1
        %and3A = arith.andi %ne3A_62, %ne3A_58 : i1
        %add3A_63 = arith.addi %rem3A, %select_n3A : i32
        %select_n3A_64 = arith.select %and3A, %add3A_63, %rem3A : i32
        %eq3A_65 = arith.constant 0 : i32
        %eq3A_66 = arith.cmpi eq, %select_n3A_64, %eq3A_65 : i32
        %convert_element_type3A_67 = arith.extui %eq3A_66 : i1 to i32
        %cond3A_68 = arith.constant 0 : i32
        %cond3A_69 = arith.cmpi ne, %convert_element_type3A_67, %cond3A_68 : i32
        scf.if %cond3A_69 {
          %add3A_91 = arith.constant 2 : i32
          %add3A_92 = arith.addi %scan3A_54, %add3A_91 : i32
          %sub3A = arith.constant 1 : i32
          %sub3A_93 = arith.subi %add3A_92, %sub3A : i32
          %lt3A_94 = arith.constant 61 : i32
          %lt3A_95 = arith.cmpi slt, %sub3A_93, %lt3A_94 : i32
          %convert_element_type3A_96 = arith.extui %lt3A_95 : i1 to i32
          %cond3A_97 = arith.constant 0 : i32
          %cond3A_98 = arith.cmpi ne, %convert_element_type3A_96, %cond3A_97 : i32
          scf.if %cond3A_98 {
            %add3A_101 = arith.constant 2 : i32
            %add3A_102 = arith.addi %scan3A_54, %add3A_101 : i32
            %sub3A_103 = arith.constant 1 : i32
            %sub3A_104 = arith.subi %add3A_102, %sub3A_103 : i32
            %mul3A_105 = arith.constant 2048 : i32
            %mul3A_106 = arith.muli %sub3A_104, %mul3A_105 : i32
            %add3A_107 = arith.constant 0 : i32
            %add3A_108 = arith.addi %add3A_107, %mul3A_106 : i32
            %mul3A_109 = arith.constant 128 : i32
            %mul3A_110 = arith.muli %arg1, %mul3A_109 : i32
            %add3A_111 = arith.addi %add3A_108, %mul3A_110 : i32
            %multiple_of3A_112 = tpu.assume_multiple %add3A_111, 128 : i32
            "tpu.region"() ({
              %run_scoped3A = tpu.sem_alloc : memref<!tpu.dma_semaphore, #tpu.memory_space<semaphore_mem>>
              %dma_start3A_116 = tpu.memref_slice %arg6[%multiple_of3A_112] : memref<501760xi32, #tpu.memory_space<hbm>> -> memref<128xi32, #tpu.memory_space<hbm>>
              %dma_start3A_117 = tpu.memref_slice %arg6[%multiple_of3A_112] : memref<501760xi32, #tpu.memory_space<hbm>> -> memref<128xi32, #tpu.memory_space<hbm>>
              tpu.enqueue_dma source(%dma_start3A_117 : memref<128xi32, #tpu.memory_space<hbm>>) target(%arg19 : memref<128xi32, #tpu.memory_space<vmem>>) target_semaphore(%run_scoped3A : memref<!tpu.dma_semaphore, #tpu.memory_space<semaphore_mem>>)
              %dma_wait3A_118 = tpu.memref_slice %arg6[%multiple_of3A_112] : memref<501760xi32, #tpu.memory_space<hbm>> -> memref<128xi32, #tpu.memory_space<hbm>>
              %dma_wait3A_119 = tpu.memref_slice %arg6[%multiple_of3A_112] : memref<501760xi32, #tpu.memory_space<hbm>> -> memref<128xi32, #tpu.memory_space<hbm>>
              tpu.wait_dma2 semaphore(%run_scoped3A : memref<!tpu.dma_semaphore, #tpu.memory_space<semaphore_mem>>) src(%dma_wait3A_119 : memref<128xi32, #tpu.memory_space<hbm>>) dst(%arg19 : memref<128xi32, #tpu.memory_space<vmem>>)
              tpu.yield
            }) : () -> ()
            "tpu.region"() ({
              %run_scoped3A = tpu.sem_alloc : memref<!tpu.dma_semaphore, #tpu.memory_space<semaphore_mem>>
              %dma_start3A_116 = tpu.memref_slice %arg7[%multiple_of3A_112] : memref<501760xi32, #tpu.memory_space<hbm>> -> memref<128xi32, #tpu.memory_space<hbm>>
              %dma_start3A_117 = tpu.memref_slice %arg7[%multiple_of3A_112] : memref<501760xi32, #tpu.memory_space<hbm>> -> memref<128xi32, #tpu.memory_space<hbm>>
              tpu.enqueue_dma source(%dma_start3A_117 : memref<128xi32, #tpu.memory_space<hbm>>) target(%arg20 : memref<128xi32, #tpu.memory_space<vmem>>) target_semaphore(%run_scoped3A : memref<!tpu.dma_semaphore, #tpu.memory_space<semaphore_mem>>)
              %dma_wait3A_118 = tpu.memref_slice %arg7[%multiple_of3A_112] : memref<501760xi32, #tpu.memory_space<hbm>> -> memref<128xi32, #tpu.memory_space<hbm>>
              %dma_wait3A_119 = tpu.memref_slice %arg7[%multiple_of3A_112] : memref<501760xi32, #tpu.memory_space<hbm>> -> memref<128xi32, #tpu.memory_space<hbm>>
              tpu.wait_dma2 semaphore(%run_scoped3A : memref<!tpu.dma_semaphore, #tpu.memory_space<semaphore_mem>>) src(%dma_wait3A_119 : memref<128xi32, #tpu.memory_space<hbm>>) dst(%arg20 : memref<128xi32, #tpu.memory_space<vmem>>)
              tpu.yield
            }) : () -> ()
            %dma_start3A_113 = arith.constant 0 : i32
            %dma_start3A_114 = arith.constant 0 : i32
            %dma_start3A_115 = tpu.memref_slice %arg3[%dma_start3A_113, %dma_start3A_114] : memref<50000x64xf32, #tpu.memory_space<hbm>> -> memref<50000x64xf32, #tpu.memory_space<hbm>>
            tpu.enqueue_indirect_dma source(%dma_start3A_115 : memref<50000x64xf32, #tpu.memory_space<hbm>>) target(%arg21 : memref<128x64xf32, #tpu.memory_space<vmem>>) offsets(%arg20 : memref<128xi32, #tpu.memory_space<vmem>>) semaphore(%arg22 : memref<!tpu.dma_semaphore, #tpu.memory_space<semaphore_mem>>)
          } else {
          }
          %dma_wait3A = arith.constant 0 : i32
          %dma_wait3A_99 = arith.constant 0 : i32
          %dma_wait3A_100 = tpu.memref_slice %arg3[%dma_wait3A, %dma_wait3A_99] : memref<50000x64xf32, #tpu.memory_space<hbm>> -> memref<50000x64xf32, #tpu.memory_space<hbm>>
          tpu.wait_indirect_dma semaphore(%arg18 : memref<!tpu.dma_semaphore, #tpu.memory_space<semaphore_mem>>) src(%dma_wait3A_100 : memref<50000x64xf32, #tpu.memory_space<hbm>>) dst(%arg17 : memref<128x64xf32, #tpu.memory_space<vmem>>)
          "tpu.region"() ({
            %run_scoped3A = tpu.sem_alloc : memref<!tpu.dma_semaphore, #tpu.memory_space<semaphore_mem>>
            %dma_start3A_101 = arith.constant 0 : i32
            %dma_start3A_102 = arith.constant 0 : i32
            %dma_start3A_103 = tpu.memref_slice %arg14[%dma_start3A_101, %dma_start3A_102] : memref<25088x64xf32, #tpu.memory_space<vmem_shared>> -> memref<25088x64xf32, #tpu.memory_space<vmem_shared>>
            tpu.enqueue_indirect_dma source(%arg17 : memref<128x64xf32, #tpu.memory_space<vmem>>) target(%dma_start3A_103 : memref<25088x64xf32, #tpu.memory_space<vmem_shared>>) offsets(%arg15 : memref<128xi32, #tpu.memory_space<vmem>>) semaphore(%run_scoped3A : memref<!tpu.dma_semaphore, #tpu.memory_space<semaphore_mem>>) {add = true}
            %dma_wait3A_104 = arith.constant 0 : i32
            %dma_wait3A_105 = arith.constant 0 : i32
            %dma_wait3A_106 = tpu.memref_slice %arg14[%dma_wait3A_104, %dma_wait3A_105] : memref<25088x64xf32, #tpu.memory_space<vmem_shared>> -> memref<25088x64xf32, #tpu.memory_space<vmem_shared>>
            tpu.wait_indirect_dma semaphore(%run_scoped3A : memref<!tpu.dma_semaphore, #tpu.memory_space<semaphore_mem>>) src(%arg17 : memref<128x64xf32, #tpu.memory_space<vmem>>) dst(%dma_wait3A_106 : memref<25088x64xf32, #tpu.memory_space<vmem_shared>>)
            tpu.yield
          }) : () -> ()
        } else {
        }
        %jit3A_70 = arith.constant 2 : i32
        %eq3A_71 = arith.constant 0 : i32
        %eq3A_72 = arith.cmpi eq, %jit3A_70, %eq3A_71 : i32
        %jit3A_73 = arith.constant 1 : i32
        %select_n3A_74 = arith.select %eq3A_72, %jit3A_73, %jit3A_70 : i32
        %rem3A_75 = arith.remsi %scan3A_54, %select_n3A_74 : i32
        %ne3A_76 = arith.constant 0 : i32
        %ne3A_77 = arith.cmpi ne, %rem3A_75, %ne3A_76 : i32
        %lt3A_78 = arith.constant 0 : i32
        %lt3A_79 = arith.cmpi slt, %rem3A_75, %lt3A_78 : i32
        %lt3A_80 = arith.constant 0 : i32
        %lt3A_81 = arith.cmpi slt, %select_n3A_74, %lt3A_80 : i32
        %ne3A_82 = arith.xori %lt3A_79, %lt3A_81 : i1
        %and3A_83 = arith.andi %ne3A_82, %ne3A_77 : i1
        %add3A_84 = arith.addi %rem3A_75, %select_n3A_74 : i32
        %select_n3A_85 = arith.select %and3A_83, %add3A_84, %rem3A_75 : i32
        %eq3A_86 = arith.constant 1 : i32
        %eq3A_87 = arith.cmpi eq, %select_n3A_85, %eq3A_86 : i32
        %convert_element_type3A_88 = arith.extui %eq3A_87 : i1 to i32
        %cond3A_89 = arith.constant 0 : i32
        %cond3A_90 = arith.cmpi ne, %convert_element_type3A_88, %cond3A_89 : i32
        scf.if %cond3A_90 {
          %add3A_91 = arith.constant 2 : i32
          %add3A_92 = arith.addi %scan3A_54, %add3A_91 : i32
          %sub3A = arith.constant 1 : i32
          %sub3A_93 = arith.subi %add3A_92, %sub3A : i32
          %lt3A_94 = arith.constant 61 : i32
          %lt3A_95 = arith.cmpi slt, %sub3A_93, %lt3A_94 : i32
          %convert_element_type3A_96 = arith.extui %lt3A_95 : i1 to i32
          %cond3A_97 = arith.constant 0 : i32
          %cond3A_98 = arith.cmpi ne, %convert_element_type3A_96, %cond3A_97 : i32
          scf.if %cond3A_98 {
            %add3A_101 = arith.constant 2 : i32
            %add3A_102 = arith.addi %scan3A_54, %add3A_101 : i32
            %sub3A_103 = arith.constant 1 : i32
            %sub3A_104 = arith.subi %add3A_102, %sub3A_103 : i32
            %mul3A_105 = arith.constant 2048 : i32
            %mul3A_106 = arith.muli %sub3A_104, %mul3A_105 : i32
            %add3A_107 = arith.constant 0 : i32
            %add3A_108 = arith.addi %add3A_107, %mul3A_106 : i32
            %mul3A_109 = arith.constant 128 : i32
            %mul3A_110 = arith.muli %arg1, %mul3A_109 : i32
            %add3A_111 = arith.addi %add3A_108, %mul3A_110 : i32
            %multiple_of3A_112 = tpu.assume_multiple %add3A_111, 128 : i32
            "tpu.region"() ({
              %run_scoped3A = tpu.sem_alloc : memref<!tpu.dma_semaphore, #tpu.memory_space<semaphore_mem>>
              %dma_start3A_116 = tpu.memref_slice %arg6[%multiple_of3A_112] : memref<501760xi32, #tpu.memory_space<hbm>> -> memref<128xi32, #tpu.memory_space<hbm>>
              %dma_start3A_117 = tpu.memref_slice %arg6[%multiple_of3A_112] : memref<501760xi32, #tpu.memory_space<hbm>> -> memref<128xi32, #tpu.memory_space<hbm>>
              tpu.enqueue_dma source(%dma_start3A_117 : memref<128xi32, #tpu.memory_space<hbm>>) target(%arg15 : memref<128xi32, #tpu.memory_space<vmem>>) target_semaphore(%run_scoped3A : memref<!tpu.dma_semaphore, #tpu.memory_space<semaphore_mem>>)
              %dma_wait3A_118 = tpu.memref_slice %arg6[%multiple_of3A_112] : memref<501760xi32, #tpu.memory_space<hbm>> -> memref<128xi32, #tpu.memory_space<hbm>>
              %dma_wait3A_119 = tpu.memref_slice %arg6[%multiple_of3A_112] : memref<501760xi32, #tpu.memory_space<hbm>> -> memref<128xi32, #tpu.memory_space<hbm>>
              tpu.wait_dma2 semaphore(%run_scoped3A : memref<!tpu.dma_semaphore, #tpu.memory_space<semaphore_mem>>) src(%dma_wait3A_119 : memref<128xi32, #tpu.memory_space<hbm>>) dst(%arg15 : memref<128xi32, #tpu.memory_space<vmem>>)
              tpu.yield
            }) : () -> ()
            "tpu.region"() ({
              %run_scoped3A = tpu.sem_alloc : memref<!tpu.dma_semaphore, #tpu.memory_space<semaphore_mem>>
              %dma_start3A_116 = tpu.memref_slice %arg7[%multiple_of3A_112] : memref<501760xi32, #tpu.memory_space<hbm>> -> memref<128xi32, #tpu.memory_space<hbm>>
              %dma_start3A_117 = tpu.memref_slice %arg7[%multiple_of3A_112] : memref<501760xi32, #tpu.memory_space<hbm>> -> memref<128xi32, #tpu.memory_space<hbm>>
              tpu.enqueue_dma source(%dma_start3A_117 : memref<128xi32, #tpu.memory_space<hbm>>) target(%arg16 : memref<128xi32, #tpu.memory_space<vmem>>) target_semaphore(%run_scoped3A : memref<!tpu.dma_semaphore, #tpu.memory_space<semaphore_mem>>)
              %dma_wait3A_118 = tpu.memref_slice %arg7[%multiple_of3A_112] : memref<501760xi32, #tpu.memory_space<hbm>> -> memref<128xi32, #tpu.memory_space<hbm>>
              %dma_wait3A_119 = tpu.memref_slice %arg7[%multiple_of3A_112] : memref<501760xi32, #tpu.memory_space<hbm>> -> memref<128xi32, #tpu.memory_space<hbm>>
              tpu.wait_dma2 semaphore(%run_scoped3A : memref<!tpu.dma_semaphore, #tpu.memory_space<semaphore_mem>>) src(%dma_wait3A_119 : memref<128xi32, #tpu.memory_space<hbm>>) dst(%arg16 : memref<128xi32, #tpu.memory_space<vmem>>)
              tpu.yield
            }) : () -> ()
            %dma_start3A_113 = arith.constant 0 : i32
            %dma_start3A_114 = arith.constant 0 : i32
            %dma_start3A_115 = tpu.memref_slice %arg3[%dma_start3A_113, %dma_start3A_114] : memref<50000x64xf32, #tpu.memory_space<hbm>> -> memref<50000x64xf32, #tpu.memory_space<hbm>>
            tpu.enqueue_indirect_dma source(%dma_start3A_115 : memref<50000x64xf32, #tpu.memory_space<hbm>>) target(%arg17 : memref<128x64xf32, #tpu.memory_space<vmem>>) offsets(%arg16 : memref<128xi32, #tpu.memory_space<vmem>>) semaphore(%arg18 : memref<!tpu.dma_semaphore, #tpu.memory_space<semaphore_mem>>)
          } else {
          }
          %dma_wait3A = arith.constant 0 : i32
          %dma_wait3A_99 = arith.constant 0 : i32
          %dma_wait3A_100 = tpu.memref_slice %arg3[%dma_wait3A, %dma_wait3A_99] : memref<50000x64xf32, #tpu.memory_space<hbm>> -> memref<50000x64xf32, #tpu.memory_space<hbm>>
          tpu.wait_indirect_dma semaphore(%arg22 : memref<!tpu.dma_semaphore, #tpu.memory_space<semaphore_mem>>) src(%dma_wait3A_100 : memref<50000x64xf32, #tpu.memory_space<hbm>>) dst(%arg21 : memref<128x64xf32, #tpu.memory_space<vmem>>)
          "tpu.region"() ({
            %run_scoped3A = tpu.sem_alloc : memref<!tpu.dma_semaphore, #tpu.memory_space<semaphore_mem>>
            %dma_start3A_101 = arith.constant 0 : i32
            %dma_start3A_102 = arith.constant 0 : i32
            %dma_start3A_103 = tpu.memref_slice %arg14[%dma_start3A_101, %dma_start3A_102] : memref<25088x64xf32, #tpu.memory_space<vmem_shared>> -> memref<25088x64xf32, #tpu.memory_space<vmem_shared>>
            tpu.enqueue_indirect_dma source(%arg21 : memref<128x64xf32, #tpu.memory_space<vmem>>) target(%dma_start3A_103 : memref<25088x64xf32, #tpu.memory_space<vmem_shared>>) offsets(%arg19 : memref<128xi32, #tpu.memory_space<vmem>>) semaphore(%run_scoped3A : memref<!tpu.dma_semaphore, #tpu.memory_space<semaphore_mem>>) {add = true}
            %dma_wait3A_104 = arith.constant 0 : i32
            %dma_wait3A_105 = arith.constant 0 : i32
            %dma_wait3A_106 = tpu.memref_slice %arg14[%dma_wait3A_104, %dma_wait3A_105] : memref<25088x64xf32, #tpu.memory_space<vmem_shared>> -> memref<25088x64xf32, #tpu.memory_space<vmem_shared>>
            tpu.wait_indirect_dma semaphore(%run_scoped3A : memref<!tpu.dma_semaphore, #tpu.memory_space<semaphore_mem>>) src(%arg21 : memref<128x64xf32, #tpu.memory_space<vmem>>) dst(%dma_wait3A_106 : memref<25088x64xf32, #tpu.memory_space<vmem_shared>>)
            tpu.yield
          }) : () -> ()
        } else {
        }
      }
      %scan3A_51 = arith.constant 61 : i32
      %barrier3A_52 = arith.constant 0 : index
      tpu.barrier barrier_id(%barrier3A_52)
      "tpu.region"() ({
        %run_scoped3A = tpu.sem_alloc : memref<!tpu.dma_semaphore, #tpu.memory_space<semaphore_mem>>
        %dma_start3A_54 = arith.constant 0 : i32
        %dma_start3A_55 = tpu.memref_slice %arg12[%mul3A_0, %dma_start3A_54] : memref<25088x64xf32, #tpu.memory_space<hbm>> -> memref<1568x64xf32, #tpu.memory_space<hbm>>
        %dma_start3A_56 = arith.constant 0 : i32
        %dma_start3A_57 = tpu.memref_slice %arg14[%mul3A_0, %dma_start3A_56] : memref<25088x64xf32, #tpu.memory_space<vmem_shared>> -> memref<1568x64xf32, #tpu.memory_space<vmem_shared>>
        tpu.enqueue_dma source(%dma_start3A_57 : memref<1568x64xf32, #tpu.memory_space<vmem_shared>>) target(%dma_start3A_55 : memref<1568x64xf32, #tpu.memory_space<hbm>>) target_semaphore(%run_scoped3A : memref<!tpu.dma_semaphore, #tpu.memory_space<semaphore_mem>>)
        %dma_wait3A = arith.constant 0 : i32
        %dma_wait3A_58 = tpu.memref_slice %arg12[%mul3A_0, %dma_wait3A] : memref<25088x64xf32, #tpu.memory_space<hbm>> -> memref<1568x64xf32, #tpu.memory_space<hbm>>
        %dma_wait3A_59 = arith.constant 0 : i32
        %dma_wait3A_60 = tpu.memref_slice %arg14[%mul3A_0, %dma_wait3A_59] : memref<25088x64xf32, #tpu.memory_space<vmem_shared>> -> memref<1568x64xf32, #tpu.memory_space<vmem_shared>>
        tpu.wait_dma2 semaphore(%run_scoped3A : memref<!tpu.dma_semaphore, #tpu.memory_space<semaphore_mem>>) src(%dma_wait3A_60 : memref<1568x64xf32, #tpu.memory_space<vmem_shared>>) dst(%dma_wait3A_58 : memref<1568x64xf32, #tpu.memory_space<hbm>>)
        tpu.yield
      }) : () -> ()
      %barrier3A_53 = arith.constant 0 : index
      tpu.barrier barrier_id(%barrier3A_53)
    } else {
    }
    %eq3A_3 = arith.constant 1 : i32
    %eq3A_4 = arith.cmpi eq, %arg0, %eq3A_3 : i32
    %convert_element_type3A_5 = arith.extui %eq3A_4 : i1 to i32
    %cond3A_6 = arith.constant 0 : i32
    %cond3A_7 = arith.cmpi ne, %convert_element_type3A_5, %cond3A_6 : i32
    scf.if %cond3A_7 {
      "tpu.region"() ({
        %run_scoped3A = tpu.sem_alloc : memref<!tpu.dma_semaphore, #tpu.memory_space<semaphore_mem>>
        %dma_start3A_37 = arith.constant 0 : i32
        %dma_start3A_38 = tpu.memref_slice %arg14[%mul3A_0, %dma_start3A_37] : memref<25088x64xf32, #tpu.memory_space<vmem_shared>> -> memref<1568x64xf32, #tpu.memory_space<vmem_shared>>
        tpu.enqueue_dma source(%arg8 : memref<1568x64xf32, #tpu.memory_space<hbm>>) target(%dma_start3A_38 : memref<1568x64xf32, #tpu.memory_space<vmem_shared>>) target_semaphore(%run_scoped3A : memref<!tpu.dma_semaphore, #tpu.memory_space<semaphore_mem>>)
        %dma_wait3A = arith.constant 0 : i32
        %dma_wait3A_39 = tpu.memref_slice %arg14[%mul3A_0, %dma_wait3A] : memref<25088x64xf32, #tpu.memory_space<vmem_shared>> -> memref<1568x64xf32, #tpu.memory_space<vmem_shared>>
        tpu.wait_dma2 semaphore(%run_scoped3A : memref<!tpu.dma_semaphore, #tpu.memory_space<semaphore_mem>>) src(%arg8 : memref<1568x64xf32, #tpu.memory_space<hbm>>) dst(%dma_wait3A_39 : memref<1568x64xf32, #tpu.memory_space<vmem_shared>>)
        tpu.yield
      }) : () -> ()
      %barrier3A = arith.constant 0 : index
      tpu.barrier barrier_id(%barrier3A)
      %mul3A_8 = arith.constant 128 : i32
      %mul3A_9 = arith.muli %arg1, %mul3A_8 : i32
      %add3A = arith.constant 503808 : i32
      %add3A_10 = arith.addi %add3A, %mul3A_9 : i32
      %multiple_of3A = tpu.assume_multiple %add3A_10, 128 : i32
      "tpu.region"() ({
        %run_scoped3A = tpu.sem_alloc : memref<!tpu.dma_semaphore, #tpu.memory_space<semaphore_mem>>
        %dma_start3A_37 = tpu.memref_slice %arg4[%multiple_of3A] : memref<755712xi32, #tpu.memory_space<hbm>> -> memref<128xi32, #tpu.memory_space<hbm>>
        %dma_start3A_38 = tpu.memref_slice %arg4[%multiple_of3A] : memref<755712xi32, #tpu.memory_space<hbm>> -> memref<128xi32, #tpu.memory_space<hbm>>
        tpu.enqueue_dma source(%dma_start3A_38 : memref<128xi32, #tpu.memory_space<hbm>>) target(%arg15 : memref<128xi32, #tpu.memory_space<vmem>>) target_semaphore(%run_scoped3A : memref<!tpu.dma_semaphore, #tpu.memory_space<semaphore_mem>>)
        %dma_wait3A = tpu.memref_slice %arg4[%multiple_of3A] : memref<755712xi32, #tpu.memory_space<hbm>> -> memref<128xi32, #tpu.memory_space<hbm>>
        %dma_wait3A_39 = tpu.memref_slice %arg4[%multiple_of3A] : memref<755712xi32, #tpu.memory_space<hbm>> -> memref<128xi32, #tpu.memory_space<hbm>>
        tpu.wait_dma2 semaphore(%run_scoped3A : memref<!tpu.dma_semaphore, #tpu.memory_space<semaphore_mem>>) src(%dma_wait3A_39 : memref<128xi32, #tpu.memory_space<hbm>>) dst(%arg15 : memref<128xi32, #tpu.memory_space<vmem>>)
        tpu.yield
      }) : () -> ()
      "tpu.region"() ({
        %run_scoped3A = tpu.sem_alloc : memref<!tpu.dma_semaphore, #tpu.memory_space<semaphore_mem>>
        %dma_start3A_37 = tpu.memref_slice %arg5[%multiple_of3A] : memref<755712xi32, #tpu.memory_space<hbm>> -> memref<128xi32, #tpu.memory_space<hbm>>
        %dma_start3A_38 = tpu.memref_slice %arg5[%multiple_of3A] : memref<755712xi32, #tpu.memory_space<hbm>> -> memref<128xi32, #tpu.memory_space<hbm>>
        tpu.enqueue_dma source(%dma_start3A_38 : memref<128xi32, #tpu.memory_space<hbm>>) target(%arg16 : memref<128xi32, #tpu.memory_space<vmem>>) target_semaphore(%run_scoped3A : memref<!tpu.dma_semaphore, #tpu.memory_space<semaphore_mem>>)
        %dma_wait3A = tpu.memref_slice %arg5[%multiple_of3A] : memref<755712xi32, #tpu.memory_space<hbm>> -> memref<128xi32, #tpu.memory_space<hbm>>
        %dma_wait3A_39 = tpu.memref_slice %arg5[%multiple_of3A] : memref<755712xi32, #tpu.memory_space<hbm>> -> memref<128xi32, #tpu.memory_space<hbm>>
        tpu.wait_dma2 semaphore(%run_scoped3A : memref<!tpu.dma_semaphore, #tpu.memory_space<semaphore_mem>>) src(%dma_wait3A_39 : memref<128xi32, #tpu.memory_space<hbm>>) dst(%arg16 : memref<128xi32, #tpu.memory_space<vmem>>)
        tpu.yield
      }) : () -> ()
      %dma_start3A = arith.constant 0 : i32
      %dma_start3A_11 = arith.constant 0 : i32
      %dma_start3A_12 = tpu.memref_slice %arg2[%dma_start3A, %dma_start3A_11] : memref<25000x64xf32, #tpu.memory_space<hbm>> -> memref<25000x64xf32, #tpu.memory_space<hbm>>
      tpu.enqueue_indirect_dma source(%dma_start3A_12 : memref<25000x64xf32, #tpu.memory_space<hbm>>) target(%arg17 : memref<128x64xf32, #tpu.memory_space<vmem>>) offsets(%arg16 : memref<128xi32, #tpu.memory_space<vmem>>) semaphore(%arg18 : memref<!tpu.dma_semaphore, #tpu.memory_space<semaphore_mem>>)
      %scan3A = arith.constant 0 : i32
      %scan3A_13 = arith.constant 0 : i32
      %scan3A_14 = arith.constant 123 : i32
      %scan3A_15 = arith.addi %scan3A_13, %scan3A_14 : i32
      %scan3A_16 = arith.constant 1 : i32
      scf.for %scan3A_37 = %scan3A_13 to %scan3A_15 step %scan3A_16  : i32 {
        %jit3A = arith.constant 2 : i32
        %eq3A_38 = arith.constant 0 : i32
        %eq3A_39 = arith.cmpi eq, %jit3A, %eq3A_38 : i32
        %jit3A_40 = arith.constant 1 : i32
        %select_n3A = arith.select %eq3A_39, %jit3A_40, %jit3A : i32
        %rem3A = arith.remsi %scan3A_37, %select_n3A : i32
        %ne3A = arith.constant 0 : i32
        %ne3A_41 = arith.cmpi ne, %rem3A, %ne3A : i32
        %lt3A = arith.constant 0 : i32
        %lt3A_42 = arith.cmpi slt, %rem3A, %lt3A : i32
        %lt3A_43 = arith.constant 0 : i32
        %lt3A_44 = arith.cmpi slt, %select_n3A, %lt3A_43 : i32
        %ne3A_45 = arith.xori %lt3A_42, %lt3A_44 : i1
        %and3A = arith.andi %ne3A_45, %ne3A_41 : i1
        %add3A_46 = arith.addi %rem3A, %select_n3A : i32
        %select_n3A_47 = arith.select %and3A, %add3A_46, %rem3A : i32
        %eq3A_48 = arith.constant 0 : i32
        %eq3A_49 = arith.cmpi eq, %select_n3A_47, %eq3A_48 : i32
        %convert_element_type3A_50 = arith.extui %eq3A_49 : i1 to i32
        %cond3A_51 = arith.constant 0 : i32
        %cond3A_52 = arith.cmpi ne, %convert_element_type3A_50, %cond3A_51 : i32
        scf.if %cond3A_52 {
          %add3A_74 = arith.constant 2 : i32
          %add3A_75 = arith.addi %scan3A_37, %add3A_74 : i32
          %sub3A = arith.constant 1 : i32
          %sub3A_76 = arith.subi %add3A_75, %sub3A : i32
          %lt3A_77 = arith.constant 123 : i32
          %lt3A_78 = arith.cmpi slt, %sub3A_76, %lt3A_77 : i32
          %convert_element_type3A_79 = arith.extui %lt3A_78 : i1 to i32
          %cond3A_80 = arith.constant 0 : i32
          %cond3A_81 = arith.cmpi ne, %convert_element_type3A_79, %cond3A_80 : i32
          scf.if %cond3A_81 {
            %add3A_84 = arith.constant 2 : i32
            %add3A_85 = arith.addi %scan3A_37, %add3A_84 : i32
            %sub3A_86 = arith.constant 1 : i32
            %sub3A_87 = arith.subi %add3A_85, %sub3A_86 : i32
            %mul3A_88 = arith.constant 2048 : i32
            %mul3A_89 = arith.muli %sub3A_87, %mul3A_88 : i32
            %add3A_90 = arith.constant 503808 : i32
            %add3A_91 = arith.addi %add3A_90, %mul3A_89 : i32
            %mul3A_92 = arith.constant 128 : i32
            %mul3A_93 = arith.muli %arg1, %mul3A_92 : i32
            %add3A_94 = arith.addi %add3A_91, %mul3A_93 : i32
            %multiple_of3A_95 = tpu.assume_multiple %add3A_94, 128 : i32
            "tpu.region"() ({
              %run_scoped3A = tpu.sem_alloc : memref<!tpu.dma_semaphore, #tpu.memory_space<semaphore_mem>>
              %dma_start3A_99 = tpu.memref_slice %arg4[%multiple_of3A_95] : memref<755712xi32, #tpu.memory_space<hbm>> -> memref<128xi32, #tpu.memory_space<hbm>>
              %dma_start3A_100 = tpu.memref_slice %arg4[%multiple_of3A_95] : memref<755712xi32, #tpu.memory_space<hbm>> -> memref<128xi32, #tpu.memory_space<hbm>>
              tpu.enqueue_dma source(%dma_start3A_100 : memref<128xi32, #tpu.memory_space<hbm>>) target(%arg19 : memref<128xi32, #tpu.memory_space<vmem>>) target_semaphore(%run_scoped3A : memref<!tpu.dma_semaphore, #tpu.memory_space<semaphore_mem>>)
              %dma_wait3A_101 = tpu.memref_slice %arg4[%multiple_of3A_95] : memref<755712xi32, #tpu.memory_space<hbm>> -> memref<128xi32, #tpu.memory_space<hbm>>
              %dma_wait3A_102 = tpu.memref_slice %arg4[%multiple_of3A_95] : memref<755712xi32, #tpu.memory_space<hbm>> -> memref<128xi32, #tpu.memory_space<hbm>>
              tpu.wait_dma2 semaphore(%run_scoped3A : memref<!tpu.dma_semaphore, #tpu.memory_space<semaphore_mem>>) src(%dma_wait3A_102 : memref<128xi32, #tpu.memory_space<hbm>>) dst(%arg19 : memref<128xi32, #tpu.memory_space<vmem>>)
              tpu.yield
            }) : () -> ()
            "tpu.region"() ({
              %run_scoped3A = tpu.sem_alloc : memref<!tpu.dma_semaphore, #tpu.memory_space<semaphore_mem>>
              %dma_start3A_99 = tpu.memref_slice %arg5[%multiple_of3A_95] : memref<755712xi32, #tpu.memory_space<hbm>> -> memref<128xi32, #tpu.memory_space<hbm>>
              %dma_start3A_100 = tpu.memref_slice %arg5[%multiple_of3A_95] : memref<755712xi32, #tpu.memory_space<hbm>> -> memref<128xi32, #tpu.memory_space<hbm>>
              tpu.enqueue_dma source(%dma_start3A_100 : memref<128xi32, #tpu.memory_space<hbm>>) target(%arg20 : memref<128xi32, #tpu.memory_space<vmem>>) target_semaphore(%run_scoped3A : memref<!tpu.dma_semaphore, #tpu.memory_space<semaphore_mem>>)
              %dma_wait3A_101 = tpu.memref_slice %arg5[%multiple_of3A_95] : memref<755712xi32, #tpu.memory_space<hbm>> -> memref<128xi32, #tpu.memory_space<hbm>>
              %dma_wait3A_102 = tpu.memref_slice %arg5[%multiple_of3A_95] : memref<755712xi32, #tpu.memory_space<hbm>> -> memref<128xi32, #tpu.memory_space<hbm>>
              tpu.wait_dma2 semaphore(%run_scoped3A : memref<!tpu.dma_semaphore, #tpu.memory_space<semaphore_mem>>) src(%dma_wait3A_102 : memref<128xi32, #tpu.memory_space<hbm>>) dst(%arg20 : memref<128xi32, #tpu.memory_space<vmem>>)
              tpu.yield
            }) : () -> ()
            %dma_start3A_96 = arith.constant 0 : i32
            %dma_start3A_97 = arith.constant 0 : i32
            %dma_start3A_98 = tpu.memref_slice %arg2[%dma_start3A_96, %dma_start3A_97] : memref<25000x64xf32, #tpu.memory_space<hbm>> -> memref<25000x64xf32, #tpu.memory_space<hbm>>
            tpu.enqueue_indirect_dma source(%dma_start3A_98 : memref<25000x64xf32, #tpu.memory_space<hbm>>) target(%arg21 : memref<128x64xf32, #tpu.memory_space<vmem>>) offsets(%arg20 : memref<128xi32, #tpu.memory_space<vmem>>) semaphore(%arg22 : memref<!tpu.dma_semaphore, #tpu.memory_space<semaphore_mem>>)
          } else {
          }
          %dma_wait3A = arith.constant 0 : i32
          %dma_wait3A_82 = arith.constant 0 : i32
          %dma_wait3A_83 = tpu.memref_slice %arg2[%dma_wait3A, %dma_wait3A_82] : memref<25000x64xf32, #tpu.memory_space<hbm>> -> memref<25000x64xf32, #tpu.memory_space<hbm>>
          tpu.wait_indirect_dma semaphore(%arg18 : memref<!tpu.dma_semaphore, #tpu.memory_space<semaphore_mem>>) src(%dma_wait3A_83 : memref<25000x64xf32, #tpu.memory_space<hbm>>) dst(%arg17 : memref<128x64xf32, #tpu.memory_space<vmem>>)
          "tpu.region"() ({
            %run_scoped3A = tpu.sem_alloc : memref<!tpu.dma_semaphore, #tpu.memory_space<semaphore_mem>>
            %dma_start3A_84 = arith.constant 0 : i32
            %dma_start3A_85 = arith.constant 0 : i32
            %dma_start3A_86 = tpu.memref_slice %arg14[%dma_start3A_84, %dma_start3A_85] : memref<25088x64xf32, #tpu.memory_space<vmem_shared>> -> memref<25088x64xf32, #tpu.memory_space<vmem_shared>>
            tpu.enqueue_indirect_dma source(%arg17 : memref<128x64xf32, #tpu.memory_space<vmem>>) target(%dma_start3A_86 : memref<25088x64xf32, #tpu.memory_space<vmem_shared>>) offsets(%arg15 : memref<128xi32, #tpu.memory_space<vmem>>) semaphore(%run_scoped3A : memref<!tpu.dma_semaphore, #tpu.memory_space<semaphore_mem>>) {add = true}
            %dma_wait3A_87 = arith.constant 0 : i32
            %dma_wait3A_88 = arith.constant 0 : i32
            %dma_wait3A_89 = tpu.memref_slice %arg14[%dma_wait3A_87, %dma_wait3A_88] : memref<25088x64xf32, #tpu.memory_space<vmem_shared>> -> memref<25088x64xf32, #tpu.memory_space<vmem_shared>>
            tpu.wait_indirect_dma semaphore(%run_scoped3A : memref<!tpu.dma_semaphore, #tpu.memory_space<semaphore_mem>>) src(%arg17 : memref<128x64xf32, #tpu.memory_space<vmem>>) dst(%dma_wait3A_89 : memref<25088x64xf32, #tpu.memory_space<vmem_shared>>)
            tpu.yield
          }) : () -> ()
        } else {
        }
        %jit3A_53 = arith.constant 2 : i32
        %eq3A_54 = arith.constant 0 : i32
        %eq3A_55 = arith.cmpi eq, %jit3A_53, %eq3A_54 : i32
        %jit3A_56 = arith.constant 1 : i32
        %select_n3A_57 = arith.select %eq3A_55, %jit3A_56, %jit3A_53 : i32
        %rem3A_58 = arith.remsi %scan3A_37, %select_n3A_57 : i32
        %ne3A_59 = arith.constant 0 : i32
        %ne3A_60 = arith.cmpi ne, %rem3A_58, %ne3A_59 : i32
        %lt3A_61 = arith.constant 0 : i32
        %lt3A_62 = arith.cmpi slt, %rem3A_58, %lt3A_61 : i32
        %lt3A_63 = arith.constant 0 : i32
        %lt3A_64 = arith.cmpi slt, %select_n3A_57, %lt3A_63 : i32
        %ne3A_65 = arith.xori %lt3A_62, %lt3A_64 : i1
        %and3A_66 = arith.andi %ne3A_65, %ne3A_60 : i1
        %add3A_67 = arith.addi %rem3A_58, %select_n3A_57 : i32
        %select_n3A_68 = arith.select %and3A_66, %add3A_67, %rem3A_58 : i32
        %eq3A_69 = arith.constant 1 : i32
        %eq3A_70 = arith.cmpi eq, %select_n3A_68, %eq3A_69 : i32
        %convert_element_type3A_71 = arith.extui %eq3A_70 : i1 to i32
        %cond3A_72 = arith.constant 0 : i32
        %cond3A_73 = arith.cmpi ne, %convert_element_type3A_71, %cond3A_72 : i32
        scf.if %cond3A_73 {
          %add3A_74 = arith.constant 2 : i32
          %add3A_75 = arith.addi %scan3A_37, %add3A_74 : i32
          %sub3A = arith.constant 1 : i32
          %sub3A_76 = arith.subi %add3A_75, %sub3A : i32
          %lt3A_77 = arith.constant 123 : i32
          %lt3A_78 = arith.cmpi slt, %sub3A_76, %lt3A_77 : i32
          %convert_element_type3A_79 = arith.extui %lt3A_78 : i1 to i32
          %cond3A_80 = arith.constant 0 : i32
          %cond3A_81 = arith.cmpi ne, %convert_element_type3A_79, %cond3A_80 : i32
          scf.if %cond3A_81 {
            %add3A_84 = arith.constant 2 : i32
            %add3A_85 = arith.addi %scan3A_37, %add3A_84 : i32
            %sub3A_86 = arith.constant 1 : i32
            %sub3A_87 = arith.subi %add3A_85, %sub3A_86 : i32
            %mul3A_88 = arith.constant 2048 : i32
            %mul3A_89 = arith.muli %sub3A_87, %mul3A_88 : i32
            %add3A_90 = arith.constant 503808 : i32
            %add3A_91 = arith.addi %add3A_90, %mul3A_89 : i32
            %mul3A_92 = arith.constant 128 : i32
            %mul3A_93 = arith.muli %arg1, %mul3A_92 : i32
            %add3A_94 = arith.addi %add3A_91, %mul3A_93 : i32
            %multiple_of3A_95 = tpu.assume_multiple %add3A_94, 128 : i32
            "tpu.region"() ({
              %run_scoped3A = tpu.sem_alloc : memref<!tpu.dma_semaphore, #tpu.memory_space<semaphore_mem>>
              %dma_start3A_99 = tpu.memref_slice %arg4[%multiple_of3A_95] : memref<755712xi32, #tpu.memory_space<hbm>> -> memref<128xi32, #tpu.memory_space<hbm>>
              %dma_start3A_100 = tpu.memref_slice %arg4[%multiple_of3A_95] : memref<755712xi32, #tpu.memory_space<hbm>> -> memref<128xi32, #tpu.memory_space<hbm>>
              tpu.enqueue_dma source(%dma_start3A_100 : memref<128xi32, #tpu.memory_space<hbm>>) target(%arg15 : memref<128xi32, #tpu.memory_space<vmem>>) target_semaphore(%run_scoped3A : memref<!tpu.dma_semaphore, #tpu.memory_space<semaphore_mem>>)
              %dma_wait3A_101 = tpu.memref_slice %arg4[%multiple_of3A_95] : memref<755712xi32, #tpu.memory_space<hbm>> -> memref<128xi32, #tpu.memory_space<hbm>>
              %dma_wait3A_102 = tpu.memref_slice %arg4[%multiple_of3A_95] : memref<755712xi32, #tpu.memory_space<hbm>> -> memref<128xi32, #tpu.memory_space<hbm>>
              tpu.wait_dma2 semaphore(%run_scoped3A : memref<!tpu.dma_semaphore, #tpu.memory_space<semaphore_mem>>) src(%dma_wait3A_102 : memref<128xi32, #tpu.memory_space<hbm>>) dst(%arg15 : memref<128xi32, #tpu.memory_space<vmem>>)
              tpu.yield
            }) : () -> ()
            "tpu.region"() ({
              %run_scoped3A = tpu.sem_alloc : memref<!tpu.dma_semaphore, #tpu.memory_space<semaphore_mem>>
              %dma_start3A_99 = tpu.memref_slice %arg5[%multiple_of3A_95] : memref<755712xi32, #tpu.memory_space<hbm>> -> memref<128xi32, #tpu.memory_space<hbm>>
              %dma_start3A_100 = tpu.memref_slice %arg5[%multiple_of3A_95] : memref<755712xi32, #tpu.memory_space<hbm>> -> memref<128xi32, #tpu.memory_space<hbm>>
              tpu.enqueue_dma source(%dma_start3A_100 : memref<128xi32, #tpu.memory_space<hbm>>) target(%arg16 : memref<128xi32, #tpu.memory_space<vmem>>) target_semaphore(%run_scoped3A : memref<!tpu.dma_semaphore, #tpu.memory_space<semaphore_mem>>)
              %dma_wait3A_101 = tpu.memref_slice %arg5[%multiple_of3A_95] : memref<755712xi32, #tpu.memory_space<hbm>> -> memref<128xi32, #tpu.memory_space<hbm>>
              %dma_wait3A_102 = tpu.memref_slice %arg5[%multiple_of3A_95] : memref<755712xi32, #tpu.memory_space<hbm>> -> memref<128xi32, #tpu.memory_space<hbm>>
              tpu.wait_dma2 semaphore(%run_scoped3A : memref<!tpu.dma_semaphore, #tpu.memory_space<semaphore_mem>>) src(%dma_wait3A_102 : memref<128xi32, #tpu.memory_space<hbm>>) dst(%arg16 : memref<128xi32, #tpu.memory_space<vmem>>)
              tpu.yield
            }) : () -> ()
            %dma_start3A_96 = arith.constant 0 : i32
            %dma_start3A_97 = arith.constant 0 : i32
            %dma_start3A_98 = tpu.memref_slice %arg2[%dma_start3A_96, %dma_start3A_97] : memref<25000x64xf32, #tpu.memory_space<hbm>> -> memref<25000x64xf32, #tpu.memory_space<hbm>>
            tpu.enqueue_indirect_dma source(%dma_start3A_98 : memref<25000x64xf32, #tpu.memory_space<hbm>>) target(%arg17 : memref<128x64xf32, #tpu.memory_space<vmem>>) offsets(%arg16 : memref<128xi32, #tpu.memory_space<vmem>>) semaphore(%arg18 : memref<!tpu.dma_semaphore, #tpu.memory_space<semaphore_mem>>)
          } else {
          }
          %dma_wait3A = arith.constant 0 : i32
          %dma_wait3A_82 = arith.constant 0 : i32
          %dma_wait3A_83 = tpu.memref_slice %arg2[%dma_wait3A, %dma_wait3A_82] : memref<25000x64xf32, #tpu.memory_space<hbm>> -> memref<25000x64xf32, #tpu.memory_space<hbm>>
          tpu.wait_indirect_dma semaphore(%arg22 : memref<!tpu.dma_semaphore, #tpu.memory_space<semaphore_mem>>) src(%dma_wait3A_83 : memref<25000x64xf32, #tpu.memory_space<hbm>>) dst(%arg21 : memref<128x64xf32, #tpu.memory_space<vmem>>)
          "tpu.region"() ({
            %run_scoped3A = tpu.sem_alloc : memref<!tpu.dma_semaphore, #tpu.memory_space<semaphore_mem>>
            %dma_start3A_84 = arith.constant 0 : i32
            %dma_start3A_85 = arith.constant 0 : i32
            %dma_start3A_86 = tpu.memref_slice %arg14[%dma_start3A_84, %dma_start3A_85] : memref<25088x64xf32, #tpu.memory_space<vmem_shared>> -> memref<25088x64xf32, #tpu.memory_space<vmem_shared>>
            tpu.enqueue_indirect_dma source(%arg21 : memref<128x64xf32, #tpu.memory_space<vmem>>) target(%dma_start3A_86 : memref<25088x64xf32, #tpu.memory_space<vmem_shared>>) offsets(%arg19 : memref<128xi32, #tpu.memory_space<vmem>>) semaphore(%run_scoped3A : memref<!tpu.dma_semaphore, #tpu.memory_space<semaphore_mem>>) {add = true}
            %dma_wait3A_87 = arith.constant 0 : i32
            %dma_wait3A_88 = arith.constant 0 : i32
            %dma_wait3A_89 = tpu.memref_slice %arg14[%dma_wait3A_87, %dma_wait3A_88] : memref<25088x64xf32, #tpu.memory_space<vmem_shared>> -> memref<25088x64xf32, #tpu.memory_space<vmem_shared>>
            tpu.wait_indirect_dma semaphore(%run_scoped3A : memref<!tpu.dma_semaphore, #tpu.memory_space<semaphore_mem>>) src(%arg21 : memref<128x64xf32, #tpu.memory_space<vmem>>) dst(%dma_wait3A_89 : memref<25088x64xf32, #tpu.memory_space<vmem_shared>>)
            tpu.yield
          }) : () -> ()
        } else {
        }
      }
      %scan3A_17 = arith.constant 123 : i32
      %barrier3A_18 = arith.constant 0 : index
      tpu.barrier barrier_id(%barrier3A_18)
      "tpu.region"() ({
        %run_scoped3A = tpu.sem_alloc : memref<!tpu.dma_semaphore, #tpu.memory_space<semaphore_mem>>
        %dma_start3A_37 = arith.constant 0 : i32
        %dma_start3A_38 = tpu.memref_slice %arg11[%mul3A_0, %dma_start3A_37] : memref<25088x64xf32, #tpu.memory_space<hbm>> -> memref<1568x64xf32, #tpu.memory_space<hbm>>
        %dma_start3A_39 = arith.constant 0 : i32
        %dma_start3A_40 = tpu.memref_slice %arg14[%mul3A_0, %dma_start3A_39] : memref<25088x64xf32, #tpu.memory_space<vmem_shared>> -> memref<1568x64xf32, #tpu.memory_space<vmem_shared>>
        tpu.enqueue_dma source(%dma_start3A_40 : memref<1568x64xf32, #tpu.memory_space<vmem_shared>>) target(%dma_start3A_38 : memref<1568x64xf32, #tpu.memory_space<hbm>>) target_semaphore(%run_scoped3A : memref<!tpu.dma_semaphore, #tpu.memory_space<semaphore_mem>>)
        %dma_wait3A = arith.constant 0 : i32
        %dma_wait3A_41 = tpu.memref_slice %arg11[%mul3A_0, %dma_wait3A] : memref<25088x64xf32, #tpu.memory_space<hbm>> -> memref<1568x64xf32, #tpu.memory_space<hbm>>
        %dma_wait3A_42 = arith.constant 0 : i32
        %dma_wait3A_43 = tpu.memref_slice %arg14[%mul3A_0, %dma_wait3A_42] : memref<25088x64xf32, #tpu.memory_space<vmem_shared>> -> memref<1568x64xf32, #tpu.memory_space<vmem_shared>>
        tpu.wait_dma2 semaphore(%run_scoped3A : memref<!tpu.dma_semaphore, #tpu.memory_space<semaphore_mem>>) src(%dma_wait3A_43 : memref<1568x64xf32, #tpu.memory_space<vmem_shared>>) dst(%dma_wait3A_41 : memref<1568x64xf32, #tpu.memory_space<hbm>>)
        tpu.yield
      }) : () -> ()
      %barrier3A_19 = arith.constant 0 : index
      tpu.barrier barrier_id(%barrier3A_19)
      "tpu.region"() ({
        %run_scoped3A = tpu.sem_alloc : memref<!tpu.dma_semaphore, #tpu.memory_space<semaphore_mem>>
        %dma_start3A_37 = arith.constant 0 : i32
        %dma_start3A_38 = tpu.memref_slice %arg14[%mul3A_0, %dma_start3A_37] : memref<25088x64xf32, #tpu.memory_space<vmem_shared>> -> memref<1568x64xf32, #tpu.memory_space<vmem_shared>>
        tpu.enqueue_dma source(%arg8 : memref<1568x64xf32, #tpu.memory_space<hbm>>) target(%dma_start3A_38 : memref<1568x64xf32, #tpu.memory_space<vmem_shared>>) target_semaphore(%run_scoped3A : memref<!tpu.dma_semaphore, #tpu.memory_space<semaphore_mem>>)
        %dma_wait3A = arith.constant 0 : i32
        %dma_wait3A_39 = tpu.memref_slice %arg14[%mul3A_0, %dma_wait3A] : memref<25088x64xf32, #tpu.memory_space<vmem_shared>> -> memref<1568x64xf32, #tpu.memory_space<vmem_shared>>
        tpu.wait_dma2 semaphore(%run_scoped3A : memref<!tpu.dma_semaphore, #tpu.memory_space<semaphore_mem>>) src(%arg8 : memref<1568x64xf32, #tpu.memory_space<hbm>>) dst(%dma_wait3A_39 : memref<1568x64xf32, #tpu.memory_space<vmem_shared>>)
        tpu.yield
      }) : () -> ()
      %barrier3A_20 = arith.constant 0 : index
      tpu.barrier barrier_id(%barrier3A_20)
      %mul3A_21 = arith.constant 128 : i32
      %mul3A_22 = arith.muli %arg1, %mul3A_21 : i32
      %add3A_23 = arith.constant 124928 : i32
      %add3A_24 = arith.addi %add3A_23, %mul3A_22 : i32
      %multiple_of3A_25 = tpu.assume_multiple %add3A_24, 128 : i32
      "tpu.region"() ({
        %run_scoped3A = tpu.sem_alloc : memref<!tpu.dma_semaphore, #tpu.memory_space<semaphore_mem>>
        %dma_start3A_37 = tpu.memref_slice %arg6[%multiple_of3A_25] : memref<501760xi32, #tpu.memory_space<hbm>> -> memref<128xi32, #tpu.memory_space<hbm>>
        %dma_start3A_38 = tpu.memref_slice %arg6[%multiple_of3A_25] : memref<501760xi32, #tpu.memory_space<hbm>> -> memref<128xi32, #tpu.memory_space<hbm>>
        tpu.enqueue_dma source(%dma_start3A_38 : memref<128xi32, #tpu.memory_space<hbm>>) target(%arg15 : memref<128xi32, #tpu.memory_space<vmem>>) target_semaphore(%run_scoped3A : memref<!tpu.dma_semaphore, #tpu.memory_space<semaphore_mem>>)
        %dma_wait3A = tpu.memref_slice %arg6[%multiple_of3A_25] : memref<501760xi32, #tpu.memory_space<hbm>> -> memref<128xi32, #tpu.memory_space<hbm>>
        %dma_wait3A_39 = tpu.memref_slice %arg6[%multiple_of3A_25] : memref<501760xi32, #tpu.memory_space<hbm>> -> memref<128xi32, #tpu.memory_space<hbm>>
        tpu.wait_dma2 semaphore(%run_scoped3A : memref<!tpu.dma_semaphore, #tpu.memory_space<semaphore_mem>>) src(%dma_wait3A_39 : memref<128xi32, #tpu.memory_space<hbm>>) dst(%arg15 : memref<128xi32, #tpu.memory_space<vmem>>)
        tpu.yield
      }) : () -> ()
      "tpu.region"() ({
        %run_scoped3A = tpu.sem_alloc : memref<!tpu.dma_semaphore, #tpu.memory_space<semaphore_mem>>
        %dma_start3A_37 = tpu.memref_slice %arg7[%multiple_of3A_25] : memref<501760xi32, #tpu.memory_space<hbm>> -> memref<128xi32, #tpu.memory_space<hbm>>
        %dma_start3A_38 = tpu.memref_slice %arg7[%multiple_of3A_25] : memref<501760xi32, #tpu.memory_space<hbm>> -> memref<128xi32, #tpu.memory_space<hbm>>
        tpu.enqueue_dma source(%dma_start3A_38 : memref<128xi32, #tpu.memory_space<hbm>>) target(%arg16 : memref<128xi32, #tpu.memory_space<vmem>>) target_semaphore(%run_scoped3A : memref<!tpu.dma_semaphore, #tpu.memory_space<semaphore_mem>>)
        %dma_wait3A = tpu.memref_slice %arg7[%multiple_of3A_25] : memref<501760xi32, #tpu.memory_space<hbm>> -> memref<128xi32, #tpu.memory_space<hbm>>
        %dma_wait3A_39 = tpu.memref_slice %arg7[%multiple_of3A_25] : memref<501760xi32, #tpu.memory_space<hbm>> -> memref<128xi32, #tpu.memory_space<hbm>>
        tpu.wait_dma2 semaphore(%run_scoped3A : memref<!tpu.dma_semaphore, #tpu.memory_space<semaphore_mem>>) src(%dma_wait3A_39 : memref<128xi32, #tpu.memory_space<hbm>>) dst(%arg16 : memref<128xi32, #tpu.memory_space<vmem>>)
        tpu.yield
      }) : () -> ()
      %dma_start3A_26 = arith.constant 0 : i32
      %dma_start3A_27 = arith.constant 0 : i32
      %dma_start3A_28 = tpu.memref_slice %arg3[%dma_start3A_26, %dma_start3A_27] : memref<50000x64xf32, #tpu.memory_space<hbm>> -> memref<50000x64xf32, #tpu.memory_space<hbm>>
      tpu.enqueue_indirect_dma source(%dma_start3A_28 : memref<50000x64xf32, #tpu.memory_space<hbm>>) target(%arg17 : memref<128x64xf32, #tpu.memory_space<vmem>>) offsets(%arg16 : memref<128xi32, #tpu.memory_space<vmem>>) semaphore(%arg18 : memref<!tpu.dma_semaphore, #tpu.memory_space<semaphore_mem>>)
      %scan3A_29 = arith.constant 0 : i32
      %scan3A_30 = arith.constant 0 : i32
      %scan3A_31 = arith.constant 184 : i32
      %scan3A_32 = arith.addi %scan3A_30, %scan3A_31 : i32
      %scan3A_33 = arith.constant 1 : i32
      scf.for %scan3A_37 = %scan3A_30 to %scan3A_32 step %scan3A_33  : i32 {
        %jit3A = arith.constant 2 : i32
        %eq3A_38 = arith.constant 0 : i32
        %eq3A_39 = arith.cmpi eq, %jit3A, %eq3A_38 : i32
        %jit3A_40 = arith.constant 1 : i32
        %select_n3A = arith.select %eq3A_39, %jit3A_40, %jit3A : i32
        %rem3A = arith.remsi %scan3A_37, %select_n3A : i32
        %ne3A = arith.constant 0 : i32
        %ne3A_41 = arith.cmpi ne, %rem3A, %ne3A : i32
        %lt3A = arith.constant 0 : i32
        %lt3A_42 = arith.cmpi slt, %rem3A, %lt3A : i32
        %lt3A_43 = arith.constant 0 : i32
        %lt3A_44 = arith.cmpi slt, %select_n3A, %lt3A_43 : i32
        %ne3A_45 = arith.xori %lt3A_42, %lt3A_44 : i1
        %and3A = arith.andi %ne3A_45, %ne3A_41 : i1
        %add3A_46 = arith.addi %rem3A, %select_n3A : i32
        %select_n3A_47 = arith.select %and3A, %add3A_46, %rem3A : i32
        %eq3A_48 = arith.constant 0 : i32
        %eq3A_49 = arith.cmpi eq, %select_n3A_47, %eq3A_48 : i32
        %convert_element_type3A_50 = arith.extui %eq3A_49 : i1 to i32
        %cond3A_51 = arith.constant 0 : i32
        %cond3A_52 = arith.cmpi ne, %convert_element_type3A_50, %cond3A_51 : i32
        scf.if %cond3A_52 {
          %add3A_74 = arith.constant 2 : i32
          %add3A_75 = arith.addi %scan3A_37, %add3A_74 : i32
          %sub3A = arith.constant 1 : i32
          %sub3A_76 = arith.subi %add3A_75, %sub3A : i32
          %lt3A_77 = arith.constant 184 : i32
          %lt3A_78 = arith.cmpi slt, %sub3A_76, %lt3A_77 : i32
          %convert_element_type3A_79 = arith.extui %lt3A_78 : i1 to i32
          %cond3A_80 = arith.constant 0 : i32
          %cond3A_81 = arith.cmpi ne, %convert_element_type3A_79, %cond3A_80 : i32
          scf.if %cond3A_81 {
            %add3A_84 = arith.constant 2 : i32
            %add3A_85 = arith.addi %scan3A_37, %add3A_84 : i32
            %sub3A_86 = arith.constant 1 : i32
            %sub3A_87 = arith.subi %add3A_85, %sub3A_86 : i32
            %mul3A_88 = arith.constant 2048 : i32
            %mul3A_89 = arith.muli %sub3A_87, %mul3A_88 : i32
            %add3A_90 = arith.constant 124928 : i32
            %add3A_91 = arith.addi %add3A_90, %mul3A_89 : i32
            %mul3A_92 = arith.constant 128 : i32
            %mul3A_93 = arith.muli %arg1, %mul3A_92 : i32
            %add3A_94 = arith.addi %add3A_91, %mul3A_93 : i32
            %multiple_of3A_95 = tpu.assume_multiple %add3A_94, 128 : i32
            "tpu.region"() ({
              %run_scoped3A = tpu.sem_alloc : memref<!tpu.dma_semaphore, #tpu.memory_space<semaphore_mem>>
              %dma_start3A_99 = tpu.memref_slice %arg6[%multiple_of3A_95] : memref<501760xi32, #tpu.memory_space<hbm>> -> memref<128xi32, #tpu.memory_space<hbm>>
              %dma_start3A_100 = tpu.memref_slice %arg6[%multiple_of3A_95] : memref<501760xi32, #tpu.memory_space<hbm>> -> memref<128xi32, #tpu.memory_space<hbm>>
              tpu.enqueue_dma source(%dma_start3A_100 : memref<128xi32, #tpu.memory_space<hbm>>) target(%arg19 : memref<128xi32, #tpu.memory_space<vmem>>) target_semaphore(%run_scoped3A : memref<!tpu.dma_semaphore, #tpu.memory_space<semaphore_mem>>)
              %dma_wait3A_101 = tpu.memref_slice %arg6[%multiple_of3A_95] : memref<501760xi32, #tpu.memory_space<hbm>> -> memref<128xi32, #tpu.memory_space<hbm>>
              %dma_wait3A_102 = tpu.memref_slice %arg6[%multiple_of3A_95] : memref<501760xi32, #tpu.memory_space<hbm>> -> memref<128xi32, #tpu.memory_space<hbm>>
              tpu.wait_dma2 semaphore(%run_scoped3A : memref<!tpu.dma_semaphore, #tpu.memory_space<semaphore_mem>>) src(%dma_wait3A_102 : memref<128xi32, #tpu.memory_space<hbm>>) dst(%arg19 : memref<128xi32, #tpu.memory_space<vmem>>)
              tpu.yield
            }) : () -> ()
            "tpu.region"() ({
              %run_scoped3A = tpu.sem_alloc : memref<!tpu.dma_semaphore, #tpu.memory_space<semaphore_mem>>
              %dma_start3A_99 = tpu.memref_slice %arg7[%multiple_of3A_95] : memref<501760xi32, #tpu.memory_space<hbm>> -> memref<128xi32, #tpu.memory_space<hbm>>
              %dma_start3A_100 = tpu.memref_slice %arg7[%multiple_of3A_95] : memref<501760xi32, #tpu.memory_space<hbm>> -> memref<128xi32, #tpu.memory_space<hbm>>
              tpu.enqueue_dma source(%dma_start3A_100 : memref<128xi32, #tpu.memory_space<hbm>>) target(%arg20 : memref<128xi32, #tpu.memory_space<vmem>>) target_semaphore(%run_scoped3A : memref<!tpu.dma_semaphore, #tpu.memory_space<semaphore_mem>>)
              %dma_wait3A_101 = tpu.memref_slice %arg7[%multiple_of3A_95] : memref<501760xi32, #tpu.memory_space<hbm>> -> memref<128xi32, #tpu.memory_space<hbm>>
              %dma_wait3A_102 = tpu.memref_slice %arg7[%multiple_of3A_95] : memref<501760xi32, #tpu.memory_space<hbm>> -> memref<128xi32, #tpu.memory_space<hbm>>
              tpu.wait_dma2 semaphore(%run_scoped3A : memref<!tpu.dma_semaphore, #tpu.memory_space<semaphore_mem>>) src(%dma_wait3A_102 : memref<128xi32, #tpu.memory_space<hbm>>) dst(%arg20 : memref<128xi32, #tpu.memory_space<vmem>>)
              tpu.yield
            }) : () -> ()
            %dma_start3A_96 = arith.constant 0 : i32
            %dma_start3A_97 = arith.constant 0 : i32
            %dma_start3A_98 = tpu.memref_slice %arg3[%dma_start3A_96, %dma_start3A_97] : memref<50000x64xf32, #tpu.memory_space<hbm>> -> memref<50000x64xf32, #tpu.memory_space<hbm>>
            tpu.enqueue_indirect_dma source(%dma_start3A_98 : memref<50000x64xf32, #tpu.memory_space<hbm>>) target(%arg21 : memref<128x64xf32, #tpu.memory_space<vmem>>) offsets(%arg20 : memref<128xi32, #tpu.memory_space<vmem>>) semaphore(%arg22 : memref<!tpu.dma_semaphore, #tpu.memory_space<semaphore_mem>>)
          } else {
          }
          %dma_wait3A = arith.constant 0 : i32
          %dma_wait3A_82 = arith.constant 0 : i32
          %dma_wait3A_83 = tpu.memref_slice %arg3[%dma_wait3A, %dma_wait3A_82] : memref<50000x64xf32, #tpu.memory_space<hbm>> -> memref<50000x64xf32, #tpu.memory_space<hbm>>
          tpu.wait_indirect_dma semaphore(%arg18 : memref<!tpu.dma_semaphore, #tpu.memory_space<semaphore_mem>>) src(%dma_wait3A_83 : memref<50000x64xf32, #tpu.memory_space<hbm>>) dst(%arg17 : memref<128x64xf32, #tpu.memory_space<vmem>>)
          "tpu.region"() ({
            %run_scoped3A = tpu.sem_alloc : memref<!tpu.dma_semaphore, #tpu.memory_space<semaphore_mem>>
            %dma_start3A_84 = arith.constant 0 : i32
            %dma_start3A_85 = arith.constant 0 : i32
            %dma_start3A_86 = tpu.memref_slice %arg14[%dma_start3A_84, %dma_start3A_85] : memref<25088x64xf32, #tpu.memory_space<vmem_shared>> -> memref<25088x64xf32, #tpu.memory_space<vmem_shared>>
            tpu.enqueue_indirect_dma source(%arg17 : memref<128x64xf32, #tpu.memory_space<vmem>>) target(%dma_start3A_86 : memref<25088x64xf32, #tpu.memory_space<vmem_shared>>) offsets(%arg15 : memref<128xi32, #tpu.memory_space<vmem>>) semaphore(%run_scoped3A : memref<!tpu.dma_semaphore, #tpu.memory_space<semaphore_mem>>) {add = true}
            %dma_wait3A_87 = arith.constant 0 : i32
            %dma_wait3A_88 = arith.constant 0 : i32
            %dma_wait3A_89 = tpu.memref_slice %arg14[%dma_wait3A_87, %dma_wait3A_88] : memref<25088x64xf32, #tpu.memory_space<vmem_shared>> -> memref<25088x64xf32, #tpu.memory_space<vmem_shared>>
            tpu.wait_indirect_dma semaphore(%run_scoped3A : memref<!tpu.dma_semaphore, #tpu.memory_space<semaphore_mem>>) src(%arg17 : memref<128x64xf32, #tpu.memory_space<vmem>>) dst(%dma_wait3A_89 : memref<25088x64xf32, #tpu.memory_space<vmem_shared>>)
            tpu.yield
          }) : () -> ()
        } else {
        }
        %jit3A_53 = arith.constant 2 : i32
        %eq3A_54 = arith.constant 0 : i32
        %eq3A_55 = arith.cmpi eq, %jit3A_53, %eq3A_54 : i32
        %jit3A_56 = arith.constant 1 : i32
        %select_n3A_57 = arith.select %eq3A_55, %jit3A_56, %jit3A_53 : i32
        %rem3A_58 = arith.remsi %scan3A_37, %select_n3A_57 : i32
        %ne3A_59 = arith.constant 0 : i32
        %ne3A_60 = arith.cmpi ne, %rem3A_58, %ne3A_59 : i32
        %lt3A_61 = arith.constant 0 : i32
        %lt3A_62 = arith.cmpi slt, %rem3A_58, %lt3A_61 : i32
        %lt3A_63 = arith.constant 0 : i32
        %lt3A_64 = arith.cmpi slt, %select_n3A_57, %lt3A_63 : i32
        %ne3A_65 = arith.xori %lt3A_62, %lt3A_64 : i1
        %and3A_66 = arith.andi %ne3A_65, %ne3A_60 : i1
        %add3A_67 = arith.addi %rem3A_58, %select_n3A_57 : i32
        %select_n3A_68 = arith.select %and3A_66, %add3A_67, %rem3A_58 : i32
        %eq3A_69 = arith.constant 1 : i32
        %eq3A_70 = arith.cmpi eq, %select_n3A_68, %eq3A_69 : i32
        %convert_element_type3A_71 = arith.extui %eq3A_70 : i1 to i32
        %cond3A_72 = arith.constant 0 : i32
        %cond3A_73 = arith.cmpi ne, %convert_element_type3A_71, %cond3A_72 : i32
        scf.if %cond3A_73 {
          %add3A_74 = arith.constant 2 : i32
          %add3A_75 = arith.addi %scan3A_37, %add3A_74 : i32
          %sub3A = arith.constant 1 : i32
          %sub3A_76 = arith.subi %add3A_75, %sub3A : i32
          %lt3A_77 = arith.constant 184 : i32
          %lt3A_78 = arith.cmpi slt, %sub3A_76, %lt3A_77 : i32
          %convert_element_type3A_79 = arith.extui %lt3A_78 : i1 to i32
          %cond3A_80 = arith.constant 0 : i32
          %cond3A_81 = arith.cmpi ne, %convert_element_type3A_79, %cond3A_80 : i32
          scf.if %cond3A_81 {
            %add3A_84 = arith.constant 2 : i32
            %add3A_85 = arith.addi %scan3A_37, %add3A_84 : i32
            %sub3A_86 = arith.constant 1 : i32
            %sub3A_87 = arith.subi %add3A_85, %sub3A_86 : i32
            %mul3A_88 = arith.constant 2048 : i32
            %mul3A_89 = arith.muli %sub3A_87, %mul3A_88 : i32
            %add3A_90 = arith.constant 124928 : i32
            %add3A_91 = arith.addi %add3A_90, %mul3A_89 : i32
            %mul3A_92 = arith.constant 128 : i32
            %mul3A_93 = arith.muli %arg1, %mul3A_92 : i32
            %add3A_94 = arith.addi %add3A_91, %mul3A_93 : i32
            %multiple_of3A_95 = tpu.assume_multiple %add3A_94, 128 : i32
            "tpu.region"() ({
              %run_scoped3A = tpu.sem_alloc : memref<!tpu.dma_semaphore, #tpu.memory_space<semaphore_mem>>
              %dma_start3A_99 = tpu.memref_slice %arg6[%multiple_of3A_95] : memref<501760xi32, #tpu.memory_space<hbm>> -> memref<128xi32, #tpu.memory_space<hbm>>
              %dma_start3A_100 = tpu.memref_slice %arg6[%multiple_of3A_95] : memref<501760xi32, #tpu.memory_space<hbm>> -> memref<128xi32, #tpu.memory_space<hbm>>
              tpu.enqueue_dma source(%dma_start3A_100 : memref<128xi32, #tpu.memory_space<hbm>>) target(%arg15 : memref<128xi32, #tpu.memory_space<vmem>>) target_semaphore(%run_scoped3A : memref<!tpu.dma_semaphore, #tpu.memory_space<semaphore_mem>>)
              %dma_wait3A_101 = tpu.memref_slice %arg6[%multiple_of3A_95] : memref<501760xi32, #tpu.memory_space<hbm>> -> memref<128xi32, #tpu.memory_space<hbm>>
              %dma_wait3A_102 = tpu.memref_slice %arg6[%multiple_of3A_95] : memref<501760xi32, #tpu.memory_space<hbm>> -> memref<128xi32, #tpu.memory_space<hbm>>
              tpu.wait_dma2 semaphore(%run_scoped3A : memref<!tpu.dma_semaphore, #tpu.memory_space<semaphore_mem>>) src(%dma_wait3A_102 : memref<128xi32, #tpu.memory_space<hbm>>) dst(%arg15 : memref<128xi32, #tpu.memory_space<vmem>>)
              tpu.yield
            }) : () -> ()
            "tpu.region"() ({
              %run_scoped3A = tpu.sem_alloc : memref<!tpu.dma_semaphore, #tpu.memory_space<semaphore_mem>>
              %dma_start3A_99 = tpu.memref_slice %arg7[%multiple_of3A_95] : memref<501760xi32, #tpu.memory_space<hbm>> -> memref<128xi32, #tpu.memory_space<hbm>>
              %dma_start3A_100 = tpu.memref_slice %arg7[%multiple_of3A_95] : memref<501760xi32, #tpu.memory_space<hbm>> -> memref<128xi32, #tpu.memory_space<hbm>>
              tpu.enqueue_dma source(%dma_start3A_100 : memref<128xi32, #tpu.memory_space<hbm>>) target(%arg16 : memref<128xi32, #tpu.memory_space<vmem>>) target_semaphore(%run_scoped3A : memref<!tpu.dma_semaphore, #tpu.memory_space<semaphore_mem>>)
              %dma_wait3A_101 = tpu.memref_slice %arg7[%multiple_of3A_95] : memref<501760xi32, #tpu.memory_space<hbm>> -> memref<128xi32, #tpu.memory_space<hbm>>
              %dma_wait3A_102 = tpu.memref_slice %arg7[%multiple_of3A_95] : memref<501760xi32, #tpu.memory_space<hbm>> -> memref<128xi32, #tpu.memory_space<hbm>>
              tpu.wait_dma2 semaphore(%run_scoped3A : memref<!tpu.dma_semaphore, #tpu.memory_space<semaphore_mem>>) src(%dma_wait3A_102 : memref<128xi32, #tpu.memory_space<hbm>>) dst(%arg16 : memref<128xi32, #tpu.memory_space<vmem>>)
              tpu.yield
            }) : () -> ()
            %dma_start3A_96 = arith.constant 0 : i32
            %dma_start3A_97 = arith.constant 0 : i32
            %dma_start3A_98 = tpu.memref_slice %arg3[%dma_start3A_96, %dma_start3A_97] : memref<50000x64xf32, #tpu.memory_space<hbm>> -> memref<50000x64xf32, #tpu.memory_space<hbm>>
            tpu.enqueue_indirect_dma source(%dma_start3A_98 : memref<50000x64xf32, #tpu.memory_space<hbm>>) target(%arg17 : memref<128x64xf32, #tpu.memory_space<vmem>>) offsets(%arg16 : memref<128xi32, #tpu.memory_space<vmem>>) semaphore(%arg18 : memref<!tpu.dma_semaphore, #tpu.memory_space<semaphore_mem>>)
          } else {
          }
          %dma_wait3A = arith.constant 0 : i32
          %dma_wait3A_82 = arith.constant 0 : i32
          %dma_wait3A_83 = tpu.memref_slice %arg3[%dma_wait3A, %dma_wait3A_82] : memref<50000x64xf32, #tpu.memory_space<hbm>> -> memref<50000x64xf32, #tpu.memory_space<hbm>>
          tpu.wait_indirect_dma semaphore(%arg22 : memref<!tpu.dma_semaphore, #tpu.memory_space<semaphore_mem>>) src(%dma_wait3A_83 : memref<50000x64xf32, #tpu.memory_space<hbm>>) dst(%arg21 : memref<128x64xf32, #tpu.memory_space<vmem>>)
          "tpu.region"() ({
            %run_scoped3A = tpu.sem_alloc : memref<!tpu.dma_semaphore, #tpu.memory_space<semaphore_mem>>
            %dma_start3A_84 = arith.constant 0 : i32
            %dma_start3A_85 = arith.constant 0 : i32
            %dma_start3A_86 = tpu.memref_slice %arg14[%dma_start3A_84, %dma_start3A_85] : memref<25088x64xf32, #tpu.memory_space<vmem_shared>> -> memref<25088x64xf32, #tpu.memory_space<vmem_shared>>
            tpu.enqueue_indirect_dma source(%arg21 : memref<128x64xf32, #tpu.memory_space<vmem>>) target(%dma_start3A_86 : memref<25088x64xf32, #tpu.memory_space<vmem_shared>>) offsets(%arg19 : memref<128xi32, #tpu.memory_space<vmem>>) semaphore(%run_scoped3A : memref<!tpu.dma_semaphore, #tpu.memory_space<semaphore_mem>>) {add = true}
            %dma_wait3A_87 = arith.constant 0 : i32
            %dma_wait3A_88 = arith.constant 0 : i32
            %dma_wait3A_89 = tpu.memref_slice %arg14[%dma_wait3A_87, %dma_wait3A_88] : memref<25088x64xf32, #tpu.memory_space<vmem_shared>> -> memref<25088x64xf32, #tpu.memory_space<vmem_shared>>
            tpu.wait_indirect_dma semaphore(%run_scoped3A : memref<!tpu.dma_semaphore, #tpu.memory_space<semaphore_mem>>) src(%arg21 : memref<128x64xf32, #tpu.memory_space<vmem>>) dst(%dma_wait3A_89 : memref<25088x64xf32, #tpu.memory_space<vmem_shared>>)
            tpu.yield
          }) : () -> ()
        } else {
        }
      }
      %scan3A_34 = arith.constant 184 : i32
      %barrier3A_35 = arith.constant 0 : index
      tpu.barrier barrier_id(%barrier3A_35)
      "tpu.region"() ({
        %run_scoped3A = tpu.sem_alloc : memref<!tpu.dma_semaphore, #tpu.memory_space<semaphore_mem>>
        %dma_start3A_37 = arith.constant 0 : i32
        %dma_start3A_38 = tpu.memref_slice %arg13[%mul3A_0, %dma_start3A_37] : memref<25088x64xf32, #tpu.memory_space<hbm>> -> memref<1568x64xf32, #tpu.memory_space<hbm>>
        %dma_start3A_39 = arith.constant 0 : i32
        %dma_start3A_40 = tpu.memref_slice %arg14[%mul3A_0, %dma_start3A_39] : memref<25088x64xf32, #tpu.memory_space<vmem_shared>> -> memref<1568x64xf32, #tpu.memory_space<vmem_shared>>
        tpu.enqueue_dma source(%dma_start3A_40 : memref<1568x64xf32, #tpu.memory_space<vmem_shared>>) target(%dma_start3A_38 : memref<1568x64xf32, #tpu.memory_space<hbm>>) target_semaphore(%run_scoped3A : memref<!tpu.dma_semaphore, #tpu.memory_space<semaphore_mem>>)
        %dma_wait3A = arith.constant 0 : i32
        %dma_wait3A_41 = tpu.memref_slice %arg13[%mul3A_0, %dma_wait3A] : memref<25088x64xf32, #tpu.memory_space<hbm>> -> memref<1568x64xf32, #tpu.memory_space<hbm>>
        %dma_wait3A_42 = arith.constant 0 : i32
        %dma_wait3A_43 = tpu.memref_slice %arg14[%mul3A_0, %dma_wait3A_42] : memref<25088x64xf32, #tpu.memory_space<vmem_shared>> -> memref<1568x64xf32, #tpu.memory_space<vmem_shared>>
        tpu.wait_dma2 semaphore(%run_scoped3A : memref<!tpu.dma_semaphore, #tpu.memory_space<semaphore_mem>>) src(%dma_wait3A_43 : memref<1568x64xf32, #tpu.memory_space<vmem_shared>>) dst(%dma_wait3A_41 : memref<1568x64xf32, #tpu.memory_space<hbm>>)
        tpu.yield
      }) : () -> ()
      %barrier3A_36 = arith.constant 0 : index
      tpu.barrier barrier_id(%barrier3A_36)
    } else {
    }
    return
  }
}

</mosaic_0001>

<sc_bundles>
// kernel: _spmm4.3.cloned.1.call-start
scs
__scs_entry_jumppad:
0x0: {  	(pc) =	sbr.rel $0x88, $3  }
0x1: {  	(tag) =	ssettag $0x0;
	lr =	simm.s32 $0x1  }
0x2: {  	[smem:$0x3F9A] =	sst lr;
	_ =	strace $0xD0000000  }
0x3: {  	_ = 	snop  }
0x4: {  	_ = 	snop  }
0x5: {  	_ = 	snop  }
0x6: {  	_ = 	snop  }
0x7: {  	_ = 	snop  }
__scs_overlays_trampoline_lowered:
0x8: {  	[smem:$0x3FA9] =	sst s0  }
0x9: {  	[smem:$0x3FAA] =	sst s1  }
0xa: {  	[smem:$0x3FAB] =	sst s2  }
0xb: {  	[smem:$0x3FAC] =	sst s3  }
0xc: {  	[smem:$0x3FAD] =	sst s4  }
0xd: {  	[smem:$0x3FAE] =	sst s5  }
0xe: {  	[smem:$0x3FAF] =	sst s6  }
0xf: {  	[smem:$0x3FB0] =	sst s7  }
0x10: {  	[smem:$0x3FB1] =	sst s8  }
0x11: {  	[smem:$0x3FB2] =	sst s9;
	s0 =	simm.s32 @!p0 $0x0  }
0x12: {  	s1 =	sld [smem:$0x3F98];
	s0 =	simm.s32 @p0 $0x1  }
0x13: {  	[smem:$0x3FB3] =	sst s0;
	s0 =	simm.s32 @!p1 $0x0  }
0x14: {  	s2 =	sld [smem:$0x3F97];
	s0 =	simm.s32 @p1 $0x1  }
0x15: {  	[smem:$0x3FB4] =	sst s0;
	s0 =	simm.s32 @!p2 $0x0  }
0x16: {  	s3 =	sld [smem:$0x3FDB];
	s0 =	simm.s32 @p2 $0x1  }
0x17: {  	s4 =	simm.s32 $0x1BF5;
	[smem:$0x3FB6] =	sst s0  }
0x18: {  	s0 =	sld [smem:$0x3F99];
	_ =	swait.ge [sflag:s4], $0x0  }
0x19: {  	s7 =	sld [smem:$0x3F9A]  }
0x1a: {  	s8 =	sadd.s32 $0xFFFFE003, lr  }
0x1b: {  	s9 =	sadd.s32 $0xFFFFFEF7, lr;
	s5 =	simm.s32 $0xFFFFFFFF;
	p2 =	slt.u32 s8, $0xFFFFF086  }
0x1c: {  	p1 =	slt.u32 s9, $0xF7A;
	s5 =	simm.s32 @!p2 $0x0  }
0x1d: {  	s5 =	simm.s32 @p1 $0x1;
	p0 =	seq.s32 s7, s2  }
0x1e: {  	s7 =	smul.u32 @!p0 $0xF7A, s2;
	p2 =	seq.s32 @!p0 s5, $0x0  }
0x1f: {  	s9 =	smul.u32 $0xF7A, s1;
	s8 =	simm.s32 @!p0 $0x1BF5;
	p2 =	por !p2, p0  }
0x20: {  	[sflag:s8] =	ssyncset.s32 @!p0 $0xFFFFF086;
	s6 =	sadd.s32 @!p0 s3, s7;
	s7 =	simm.s32 @!p0 $0x108  }
0x21: {  	s3 =	sadd.s32 s3, s9;
	s6 =	sadd.s32 @!p0 $0x88, s6;
	s7 =	simm.s32 @p2 $0x1082  }
0x22: {  	[simem:s7], [sflag:s8] =	dma.local @!p0 [hbm:s6], $0xF7A  }
0x23: {  	s9 =	sor.u32 $0xD0000000, s2;
	s6 =	simm.s32 $0x108;
	_ =	swait.ge @!p0 [sflag:s8], $0x0  }
0x24: {  	s3 =	sadd.s32 $0x88, s3;
	s6 =	simm.s32 @!p1 $0x1082;
	[sflag:s4] =	ssyncset.s32 $0xFFFFF086  }
0x25: {  	[simem:s6], [sflag:s4] =	dma.local [hbm:s3], $0xF7A  }
0x26: {  	[smem:$0x3F9A] =	sst s1;
	(tag) =	ssettag s2;
	_ =	strace s9  }
0x27: {  	s1 =	sld [smem:$0x3FAA]  }
0x28: {  	s2 =	sld [smem:$0x3FAB]  }
0x29: {  	s4 =	sld [smem:$0x3FAD]  }
0x2a: {  	p0 =	seq.s32 s5, $0x0;
	s5 =	sld [smem:$0x3FAE]  }
0x2b: {  	s6 =	sld [smem:$0x3FAF]  }
0x2c: {  	s7 =	sld [smem:$0x3FB0]  }
0x2d: {  	s3 =	simm.s32 $0x108;
	s8 =	sld [smem:$0x3FB1]  }
0x2e: {  	s3 =	simm.s32 @!p0 $0x1082;
	s9 =	sld [smem:$0x3FB2]  }
0x2f: {  	lr =	sadd.s32 s0, s3;
	s0 =	sld [smem:$0x3FA9]  }
0x30: {  	s3 =	sld [smem:$0x3FAC]  }
0x31: {  	[smem:$0x3FB5] =	sst s10  }
0x32: {  	s10 =	sld [smem:$0x3FB3];
	_ =	sdelay $0x3  }
0x33: {  	p0 =	seq.s32 s10, $0x1;
	s10 =	sld [smem:$0x3FB5];
	_ =	sdelay $0x3  }
0x34: {  	[smem:$0x3FB5] =	sst s10  }
0x35: {  	s10 =	sld [smem:$0x3FB4];
	_ =	sdelay $0x3  }
0x36: {  	p1 =	seq.s32 s10, $0x1;
	s10 =	sld [smem:$0x3FB5];
	_ =	sdelay $0x3  }
0x37: {  	[smem:$0x3FB5] =	sst s10  }
0x38: {  	s10 =	sld [smem:$0x3FB6]  }
0x39: {  	_ = 	snop;
	(pc) =	sbr.ind lr, $3  }
0x3a: {  	_ = 	snop  }
0x3b: {  	_ = 	snop  }
0x3c: {  	p2 =	seq.s32 s10, $0x1;
	s10 =	sld [smem:$0x3FB5]  }
0x3d: {  	_ =	shalt  }
0x3e: {  	_ =	shalt  }
0x3f: {  	_ =	shalt  }
0x40: {  	_ =	shalt  }
0x41: {  	_ =	shalt  }
0x42: {  	_ =	shalt  }
0x43: {  	_ =	shalt  }
0x44: {  	_ =	shalt  }
0x45: {  	_ =	shalt  }
0x46: {  	_ =	shalt  }
0x47: {  	_ =	shalt  }
0x48: {  	_ =	shalt  }
0x49: {  	_ =	shalt  }
0x4a: {  	_ =	shalt  }
0x4b: {  	_ =	shalt  }
0x4c: {  	_ =	shalt  }
0x4d: {  	_ =	shalt  }
0x4e: {  	_ =	shalt  }
0x4f: {  	_ =	shalt  }
0x50: {  	_ =	shalt  }
0x51: {  	_ =	shalt  }
0x52: {  	_ =	shalt  }
0x53: {  	_ =	shalt  }
0x54: {  	_ =	shalt  }
0x55: {  	_ =	shalt  }
0x56: {  	_ =	shalt  }
0x57: {  	_ =	shalt  }
0x58: {  	_ =	shalt  }
0x59: {  	_ =	shalt  }
0x5a: {  	_ =	shalt  }
0x5b: {  	_ =	shalt  }
0x5c: {  	_ =	shalt  }
0x5d: {  	_ =	shalt  }
0x5e: {  	_ =	shalt  }
0x5f: {  	_ =	shalt  }
0x60: {  	_ =	shalt  }
0x61: {  	_ =	shalt  }
0x62: {  	_ =	shalt  }
0x63: {  	_ =	shalt  }
0x64: {  	_ =	shalt  }
0x65: {  	_ =	shalt  }
0x66: {  	_ =	shalt  }
0x67: {  	_ =	shalt  }
0x68: {  	_ =	shalt  }
0x69: {  	_ =	shalt  }
0x6a: {  	_ =	shalt  }
0x6b: {  	_ =	shalt  }
0x6c: {  	_ =	shalt  }
0x6d: {  	_ =	shalt  }
0x6e: {  	_ =	shalt  }
0x6f: {  	_ =	shalt  }
0x70: {  	_ =	shalt  }
0x71: {  	_ =	shalt  }
0x72: {  	_ =	shalt  }
0x73: {  	_ =	shalt  }
0x74: {  	_ =	shalt  }
0x75: {  	_ =	shalt  }
0x76: {  	_ =	shalt  }
0x77: {  	_ =	shalt  }
0x78: {  	_ =	shalt  }
0x79: {  	_ =	shalt  }
0x7a: {  	_ =	shalt  }
0x7b: {  	_ =	shalt  }
0x7c: {  	_ =	shalt  }
0x7d: {  	_ =	shalt  }
0x7e: {  	_ =	shalt  }
0x7f: {  	_ =	shalt  }
0x80: {  	_ =	shalt  }
0x81: {  	_ =	shalt  }
0x82: {  	_ =	shalt  }
0x83: {  	_ =	shalt  }
0x84: {  	_ =	shalt  }
0x85: {  	_ =	shalt  }
0x86: {  	_ =	shalt  }
0x87: {  	_ =	shalt  }
.Lfunc_end0:
.L_simem_size_0:
called_computation_lowered:
.L_overlay_start_0:
0x88: {  	s2 =	sld [smem:$0x3FD9]  }
0x89: {  	s3 =	sld [smem:$0x3FFE];
	_ =	sdelay $0x1  }
0x8a: {  	s1 =	srdreg.scid  }
0x8b: {  	s0 =	sand.u32 $0x1, s1  }
0x8c: {  	s14 =	sshll.u32 s0, $0xA;
	s2 =	sadd.s32 s3, s2  }
0x8d: {  	s2 =	sadd.s32 s2, s14  }
0x8e: {  	[smem:$0x3FC1] =	sst s2  }
0x8f: {  	_ = 	snop  }
0x90: {  	s2 =	sld [smem:$0x3FC7]  }
0x91: {  	s15 =	sld [smem:$0x3FD0]  }
0x92: {  	s4 =	sld [smem:$0x3FC6]  }
0x93: {  	s5 =	sld [smem:$0x3FC5]  }
0x94: {  	s7 =	simm.s32 $0xA;
	s8 =	simm.s32 $0x10;
	s6 =	sld [smem:$0x3FC4]  }
0x95: {  	[smem:s8], [sflag:s7] =	dma.local [hbm:s15], $0x1  }
0x96: {  	_ =	swait.eq [sflag:s7], $0x1  }
0x97: {  	s16 =	sld [smem:$0x10]  }
0x98: {  	s17 =	sld [smem:$0x11]  }
0x99: {  	s9 =	sld [smem:$0x12];
	[sflag:s7] =	ssyncset.done $0x0  }
0x9a: {  	s10 =	sld [smem:$0x13];
	[sflag:s7] =	ssyncadd.s32 $0xFFFFFFFF  }
0x9b: {  	s18 =	sld [smem:$0x14];
	(tm) =	ssettm $0x1  }
0x9c: {  	s11 =	sld [smem:$0x3FFB];
	_ =	sdelay $0x3  }
0x9d: {  	_ =	strace s11  }
0x9e: {  	s11 =	sld [smem:$0x3FFC];
	_ =	sdelay $0x3  }
0x9f: {  	_ =	strace s11  }
0xa0: {  	s11 =	sld [smem:$0x3FFD];
	_ =	sdelay $0x3  }
0xa1: {  	_ =	strace s11  }
0xa2: {  	_ =	strace $0x8FFFFFFF  }
0xa3: {  	s19 =	sld [smem:$0x3FDB];
	_ =	sdelay $0x1  }
0xa4: {  	s12 =	simm.s32 $_scs_section_size  }
0xa5: {  	s13 =	simm.s32 $_size__tile_overlayer_lowered;
	s14 =	simm.s32 $_tile_overlayer_lowered  }
0xa6: {  	s22 =	simm.s32 $0x1BFF;
	s21 =	sshll.u32 s14, $0x1;
	s11 =	sadd.s32 s12, s19  }
0xa7: {  	s20 =	sshll.u32 s13, $0x1;
	s15 =	simm.s32 $0x0;
	s13 =	sadd.s32 s21, s11  }
0xa8: {  	[timem:s15], [sflag:s22] =	dma.local [hbm:s13], s20  }
0xa9: {  	_ =	swait.ge [sflag:s22], s20  }
0xaa: {  	s12 =	ssub.s32 $0x0, s20;
	[sflag:s22] =	ssyncset.done $0x0  }
0xab: {  	[sflag:s22] =	ssyncadd.s32 s12;
	_ =	sdelay $0x1  }
0xac: {  	s23 =	simm.s32 $0x1B8B  }
0xad: {  	_ =	swait.ge [sflag:s23], $0x1  }
0xae: {  	[sflag:s23] =	ssyncset.done $0x0  }
0xaf: {  	s25 =	simm.s32 $0x1B8E;
	s24 =	sld [smem:$0x3FFE];
	[sflag:s23] =	ssyncadd.s32 $0xFFFFFFFF  }
0xb0: {  	s26 =	simm.s32 $execute0_lowered;
	[smem:$0x3FD2] =	sst s25  }
0xb1: {  	s13 =	sshll.u32 s26, $0x1;
	_ =	strace $0x80000046;
	[dreg:$0x1] =	wrdreg $0xFFFFFFFF  }
0xb2: {  	s28 =	simm.s32 $_size_execute0_lowered;
	s11 =	sadd.s32 s11, s13;
	[dreg:$0x0] =	wrdreg $0x0  }
0xb3: {  	s13 =	sshll.u32 s28, $0x1;
	[dreg:$0x2] =	wrdreg s11  }
0xb4: {  	[dreg:$0x3] =	wrdreg s13  }
0xb5: {  	[dreg:$0x4] =	wrdreg $0xC0  }
0xb6: {  	_ =	task [dreg:s15], $0x5FFFF  }
0xb7: {  	[dreg:$0x1] =	wrdreg $0xFFFFFFFF  }
0xb8: {  	[dreg:$0x0] =	wrdreg $0x60  }
0xb9: {  	[dreg:$0x2] =	wrdreg s17  }
0xba: {  	[dreg:$0x3] =	wrdreg s24  }
0xbb: {  	[dreg:$0x4] =	wrdreg s2  }
0xbc: {  	[dreg:$0x5] =	wrdreg s4  }
0xbd: {  	[dreg:$0x6] =	wrdreg s5  }
0xbe: {  	[dreg:$0x7] =	wrdreg s6  }
0xbf: {  	[dreg:$0x8] =	wrdreg s16  }
0xc0: {  	[dreg:$0x9] =	wrdreg s18  }
0xc1: {  	[dreg:$0xa] =	wrdreg s10  }
0xc2: {  	[dreg:$0xb] =	wrdreg s9  }
0xc3: {  	[dreg:$0xc] =	wrdreg $0x0  }
0xc4: {  	[dreg:$0xd] =	wrdreg $0x9  }
0xc5: {  	_ =	task.clear_ibuf [dreg:s15], $0xEFFFF;
	_ =	strace $0x90000046  }
0xc6: {  	s29 =	simm.s32 $0x9;
	_ =	strace $0x80000048  }
0xc7: {  	_ =	swait.ge [sflag:s29], $0x1  }
0xc8: {  	[sflag:s29] =	ssyncadd.s32 $0xFFFFFFFF  }
0xc9: {  	_ =	strace $0x90000048  }
0xca: {  	_ =	sfence  }
0xcb: {  	s30 =	sld [smem:$0x0];
	_ =	sdelay $0x2  }
0xcc: {  	s31 =	sshll.u32 s1, $0xD;
	s1 =	sshrl.u32 s1, $0x2  }
0xcd: {  	s3 =	sand.u32 $0x4000, s31;
	s1 =	sadd.s32 s1, s30  }
0xce: {  	s0 =	sor.u32 s3, s0;
	s1 =	sshll.u32 s1, $0x11  }
0xcf: {  	s0 =	sor.u32 s1, s0  }
0xd0: {  	s0 =	sadd.s32 $0x8F2B, s0  }
0xd1: {  	[sflag:s0] =	ssyncadd.remote.s32 $0x1  }
0xd2: {  	_ =	sfence.sel $0xFFFF  }
0xd3: {  	[dreg:$0x0] =	wrdreg $0xFFFFFFFF;
	(pc) =	sbr.abs _section_cstart, $3  }
0xd4: {  	[dreg:$0x1] =	wrdreg $0xFFFFFFFF  }
0xd5: {  	_ =	task.clear_ibuf [dreg:s15], $0x2FFFF;
	_ =	strace $0x9FFFFFFF  }
0xd6: {  	(tm) =	ssettm $0x7FFFFFFF  }
0xd7: {  	_ =	shalt  }
tec
execute0_lowered:
.L_overlay_start_1:
0x0: {  	(tag) =	ssettag $0x1  }
0x1: {  	s0 =	rddreg [dreg:$0x0]  }
0x2: {  	s1 =	rddreg [dreg:$0x1]  }
0x3: {  	s5 =	rddreg [dreg:$0x2]  }
0x4: {  	s7 =	rddreg [dreg:$0x3]  }
0x5: {  	s8 =	rddreg [dreg:$0x4]  }
0x6: {  	s9 =	rddreg [dreg:$0x5]  }
0x7: {  	s10 =	rddreg [dreg:$0x7]  }
0x8: {  	s11 =	rddreg [dreg:$0x8]  }
0x9: {  	s13 =	rddreg [dreg:$0x9]  }
0xa: {  	s3 =	rddreg [dreg:$0xa];
	s4 =	simm.s32 $0x0;
	s6 =	srdreg.scid  }
0xb: {  	s2 =	stileid.u32;
	[smem:$0x7FF] =	sst s4  }
0xc: {  	s12 =	sand.u32 $0x1, s6;
	s6 =	sadd.s32 $0x1000, s1;
	s15 =	sadd.s32 $0x62C00, s1  }
0xd: {  	s16 =	smul.u32 $0x18800, s2;
	s1 =	sadd.s32 $0x93C00, s1;
	s22 =	sshll.u32 s2, $0x4  }
0xe: {  	_ =	strace $0x80000047;
	s14 =	ssub.s32 $0x2, s12;
	[dreg:$0xc] =	wrdreg s15  }
0xf: {  	[dreg:$0xd] =	wrdreg s1;
	p0 =	seq.s32 s12, $0x1;
	s12 =	sadd.s32 s5, s22  }
0x10: {  	s17 =	sadd.s32 s7, s22;
	s24 =	sor.u32 $0x7B00, s22;
	s18 =	sadd.s32 s8, s22  }
0x11: {  	s19 =	sor.u32 $0xF600, s22;
	s21 =	sshrl.u32 s14, $0x1;
	[dreg:$0x10] =	wrdreg s17  }
0x12: {  	s23 =	sadd.s32 s16, s3;
	s16 =	sshrl.u32 s16, $0x3;
	[dreg:$0xf] =	wrdreg s12  }
0x13: {  	s25 =	sadd.s32 s5, s24;
	s26 =	sadd.s32 s7, s24;
	[dreg:$0x16] =	wrdreg s18  }
0x14: {  	s5 =	sadd.s32 s5, s19;
	s20 =	sadd.s32 s7, s19;
	[dreg:$0xe] =	wrdreg s23  }
0x15: {  	s28 =	sadd.s32 $0x100, s12;
	s29 =	sadd.s32 $0x7C00, s17;
	[dreg:$0x13] =	wrdreg s25  }
0x16: {  	s30 =	sadd.s32 $0x7C00, s12;
	s7 =	sadd.s32 $0xF700, s12;
	[dreg:$0x14] =	wrdreg s26  }
0x17: {  	s19 =	simm.s32 $0x18900;
	s1 =	ssub.s32 s14, s21;
	[dreg:$0x17] =	wrdreg s5  }
0x18: {  	s10 =	sadd.s32 s10, s16;
	s15 =	sadd.s32 s11, s16;
	[dreg:$0x18] =	wrdreg s20  }
0x19: {  	s21 =	sor.u32 $0x3D00, s22;
	s22 =	sadd.s32 s9, s22;
	[dreg:$0x11] =	wrdreg s16  }
0x1a: {  	s23 =	sadd.s32 s13, s16;
	s25 =	sshll.u32 s2, $0x6;
	[dreg:$0x12] =	wrdreg s10  }
0x1b: {  	s26 =	sadd.s32 $0x100, s17;
	s14 =	sadd.s32 $0x3E00, s18;
	[dreg:$0x15] =	wrdreg s15  }
0x1c: {  	s16 =	simm.s32 $0x18880;
	[dreg:$0x1a] =	wrdreg s23;
	s24 =	sadd.s32 s8, s21  }
0x1d: {  	s5 =	sadd.s32 s9, s21;
	s1 =	smax.u32 s1, $0x1;
	[dreg:$0x1e] =	wrdreg s26  }
.Ltmp0:
0x1e: {  	s25 =	sor.u32 $0x1C03, s25;
	[dreg:$0x19] =	wrdreg s22;
	(pc) =	sbr.rel .LBB2_1-.Ltmp0, $4  }
0x1f: {  	s31 =	sadd.s32 $0x100, s22;
	s13 =	sadd.s32 $0x3E00, s22;
	[dreg:$0x1b] =	wrdreg s24  }
0x20: {  	s15 =	simm.s32 $0x3;
	s8 =	simm.s32 $0x18800;
	[dreg:$0x1c] =	wrdreg s5  }
0x21: {  	s21 =	simm.s32 $0x1;
	s22 =	simm.s32 $0x4;
	[dreg:$0x1d] =	wrdreg s1  }
0x22: {  	s1 =	sadd.s32 $0x100, s18;
	s5 =	sadd.s32 $0xF700, s17;
	s18 =	simm.s32 $0x80  }
.LBB2_13:
0x23: {  	s2 =	simm.s32 @p1 $0x0;
	[sflag:s23] =	ssyncset.done $0x0  }
0x24: {  	s9 =	simm.s32 @p1 $0x18800;
	s11 =	simm.s32 @p1 $0x4;
	[sflag:s23] =	ssyncadd.s32 $0xFFFFE000  }
0x25: {  	[tilespmem:s9], [sflag:$0x4] =	stream.linear.gather @p1 [hbm4b:s10+s2], $0x80, $0x38;
	[tilespmem:$0x1CA00] =	vst v63  }
0x26: {  	_ =	swait.ge @p1 [sflag:s11], $0x80  }
0x27: {  	[sflag:s11] =	ssyncset.done @p1 $0x0  }
0x28: {  	s9 =	simm.s32 @p1 $0x18880;
	[sflag:s11] =	ssyncadd.s32 @p1 $0xFFFFFF80  }
0x29: {  	[tilespmem:s9], [sflag:$0x4] =	stream.linear.gather @p1 [hbm4b:s20+s2], $0x80, $0x38;
	[tilespmem:$0x1CA00] =	vst v63  }
0x2a: {  	_ =	swait.ge @p1 [sflag:s11], $0x80  }
0x2b: {  	s12 =	simm.s32 @p1 $0x18900;
	[sflag:s11] =	ssyncset.done @p1 $0x0  }
0x2c: {  	s2 =	simm.s32 @p1 $0x2;
	[sflag:s11] =	ssyncadd.s32 @p1 $0xFFFFFF80;
	s11 =	simm.s32 @p1 $0x80  }
0x2d: {  	[tilespmem:s12], [sflag:$0x1] =	stream.indirect.gather @p1 [hbm4b:s6+s11], $0x40, s9, s11, $0xb8;
	[tilespmem:$0x1CA00] =	vst v63  }
0x2e: {  	_ =	swait.ge @p1 [sflag:s2], $0x2000  }
0x2f: {  	[sflag:s2] =	ssyncset.done @p1 $0x0  }
0x30: {  	s9 =	simm.s32 @p1 $0x1AA00;
	[sflag:s2] =	ssyncadd.s32 @p1 $0xFFFFE000;
	s2 =	simm.s32 @p1 $0x1A900  }
0x31: {  	[spmem:s3] =	stream.indirect.scatter.add.f32 @p1 [tilespmem:s9], [sflag:$0x3], $0x40, s2, s11, $0xb8;
	[tilespmem:$0x1CA00] =	vst v63  }
0x32: {  	s2 =	simm.s32 @!p1 $0x0;
	s9 =	simm.s32 @!p1 $0x1A900;
	s11 =	simm.s32 @!p1 $0x4  }
0x33: {  	[tilespmem:s9], [sflag:$0x4] =	stream.linear.gather @!p1 [hbm4b:s10+s2], $0x80, $0x38;
	[tilespmem:$0x1CA00] =	vst v63  }
0x34: {  	_ =	swait.ge @!p1 [sflag:s11], $0x80  }
0x35: {  	[sflag:s11] =	ssyncset.done @!p1 $0x0  }
0x36: {  	s9 =	simm.s32 @!p1 $0x1A980;
	[sflag:s11] =	ssyncadd.s32 @!p1 $0xFFFFFF80  }
0x37: {  	[tilespmem:s9], [sflag:$0x4] =	stream.linear.gather @!p1 [hbm4b:s20+s2], $0x80, $0x38;
	[tilespmem:$0x1CA00] =	vst v63  }
0x38: {  	_ =	swait.ge @!p1 [sflag:s11], $0x80  }
0x39: {  	s12 =	simm.s32 @!p1 $0x1AA00;
	[sflag:s11] =	ssyncset.done @!p1 $0x0  }
0x3a: {  	s10 =	simm.s32 @!p1 $0x80;
	s2 =	simm.s32 @!p1 $0x1;
	[sflag:s11] =	ssyncadd.s32 @!p1 $0xFFFFFF80  }
0x3b: {  	[tilespmem:s12], [sflag:$0x2] =	stream.indirect.gather @!p1 [hbm4b:s6+s10], $0x40, s9, s10, $0xb8;
	[tilespmem:$0x1CA00] =	vst v63  }
0x3c: {  	_ =	swait.ge @!p1 [sflag:s2], $0x2000  }
0x3d: {  	s11 =	simm.s32 @p1 $0x3;
	[sflag:s2] =	ssyncset.done @!p1 $0x0  }
0x3e: {  	s9 =	simm.s32 @!p1 $0x18900;
	[sflag:s2] =	ssyncadd.s32 @!p1 $0xFFFFE000;
	s2 =	simm.s32 @!p1 $0x18800  }
0x3f: {  	[spmem:s3] =	stream.indirect.scatter.add.f32 @!p1 [tilespmem:s9], [sflag:$0x4], $0x40, s2, s10, $0xb8;
	[tilespmem:$0x1CA00] =	vst v63  }
0x40: {  	_ =	swait.ge [sflag:s11], $0x2000  }
0x41: {  	[sflag:s11] =	ssyncset.done $0x0  }
0x42: {  	s23 =	simm.s32 $0x2;
	[sflag:s11] =	ssyncadd.s32 $0xFFFFE000  }
0x43: {  	_ =	swait.ge [sflag:s23], $0x2000  }
0x44: {  	s24 =	simm.s32 $0x1A900;
	s26 =	simm.s32 $0x1AA00;
	[sflag:s23] =	ssyncset.done $0x0  }
0x45: {  	s9 =	simm.s32 $0x3;
	s10 =	rddreg [dreg:$0xd];
	[sflag:s23] =	ssyncadd.s32 $0xFFFFE000  }
0x46: {  	[spmem:s3] =	stream.indirect.scatter.add.f32 [tilespmem:s26], [sflag:$0x3], $0x40, s24, s18, $0xb8;
	[tilespmem:$0x1CA00] =	vst v63  }
.LBB2_14:
0x47: {  	_ =	swait.ge [sflag:s9], $0x2000  }
0x48: {  	[sflag:s9] =	ssyncset.done $0x0  }
0x49: {  	s2 =	rddreg [dreg:$0x11];
	[sflag:s9] =	ssyncadd.s32 $0xFFFFE000  }
0x4a: {  	s2 =	sadd.s32 s10, s2;
	[bflag:$0x0] =	sbarrier.arrive $0xFFFF  }
0x4b: {  	[hbm:s2], [sflag:s25] =	dma.local [spmem:s17], $0x3100  }
0x4c: {  	_ =	swait.ge [sflag:s15], $0x3100  }
0x4d: {  	s4 =	sadd.s32 $0x1, s4;
	s26 =	rddreg [dreg:$0x1d]  }
0x4e: {  	p1 =	sne.s32 s4, s26  }
.Ltmp1:
0x4f: {  	_ = 	snop;
	(pc) =	sbr.rel @!p1 .LBB2_15-.Ltmp1, $3  }
0x50: {  	[sflag:s15] =	ssyncset.done $0x0  }
0x51: {  	[sflag:s15] =	ssyncadd.s32 $0xFFFFCF00  }
0x52: {  	[bflag:$0x0] =	sbarrier.arrive $0xFFFF;
	_ =	sdelay $0x1  }
.LBB2_1:
0x53: {  	s2 =	rddreg [dreg:$0xe]  }
0x54: {  	s26 =	rddreg [dreg:$0x6];
	s17 =	sshrl.u32 s2, $0x3  }
0x55: {  	[spmem:s17], [sflag:s25] =	dma.local [hbm:s26], $0x3100  }
.Ltmp2:
0x56: {  	_ =	swait.ge [sflag:s15], $0x3100;
	(pc) =	sbr.rel @!p0 .LBB2_2-.Ltmp2, $3  }
0x57: {  	[sflag:s15] =	ssyncset.done $0x0  }
0x58: {  	[sflag:s15] =	ssyncadd.s32 $0xFFFFCF00  }
0x59: {  	[bflag:$0x0] =	sbarrier.arrive $0xFFFF;
	_ =	sdelay $0x1  }
0x5a: {  	s2 =	simm.s32 $0x0;
	s9 =	rddreg [dreg:$0x17]  }
0x5b: {  	[tilespmem:s8], [sflag:$0x3] =	stream.linear.gather [hbm4b:s9+s2], $0x80, $0x38;
	[tilespmem:$0x1CA00] =	vst v63  }
0x5c: {  	_ =	swait.ge [sflag:s15], $0x80  }
0x5d: {  	[sflag:s15] =	ssyncset.done $0x0  }
0x5e: {  	s23 =	rddreg [dreg:$0x18];
	[sflag:s15] =	ssyncadd.s32 $0xFFFFFF80  }
0x5f: {  	[tilespmem:s16], [sflag:$0x3] =	stream.linear.gather [hbm4b:s23+s2], $0x80, $0x38;
	[tilespmem:$0x1CA00] =	vst v63  }
0x60: {  	_ =	swait.ge [sflag:s15], $0x80  }
0x61: {  	s2 =	sand.u32 $0x1, s2;
	[sflag:s15] =	ssyncset.done $0x0  }
0x62: {  	p1 =	seq.s32 s2, $0x1;
	[sflag:s15] =	ssyncadd.s32 $0xFFFFFF80  }
0x63: {  	[tilespmem:s19], [sflag:$0x1] =	stream.indirect.gather [hbm4b:s0+s18], $0x40, s16, s18, $0xb8;
	[tilespmem:$0x1CA00] =	vst v63  }
0x64: {  	s2 =	simm.s32 @p1 $0x0;
	s9 =	simm.s32 @p1 $0x18800;
	s10 =	simm.s32 @p1 $0x4  }
0x65: {  	[tilespmem:s9], [sflag:$0x4] =	stream.linear.gather @p1 [hbm4b:s7+s2], $0x80, $0x38;
	[tilespmem:$0x1CA00] =	vst v63  }
0x66: {  	_ =	swait.ge @p1 [sflag:s10], $0x80  }
0x67: {  	[sflag:s10] =	ssyncset.done @p1 $0x0  }
0x68: {  	s9 =	simm.s32 @p1 $0x18880;
	[sflag:s10] =	ssyncadd.s32 @p1 $0xFFFFFF80  }
0x69: {  	[tilespmem:s9], [sflag:$0x4] =	stream.linear.gather @p1 [hbm4b:s5+s2], $0x80, $0x38;
	[tilespmem:$0x1CA00] =	vst v63  }
0x6a: {  	_ =	swait.ge @p1 [sflag:s10], $0x80  }
0x6b: {  	s11 =	simm.s32 @p1 $0x18900;
	[sflag:s10] =	ssyncset.done @p1 $0x0  }
0x6c: {  	s2 =	simm.s32 @p1 $0x2;
	[sflag:s10] =	ssyncadd.s32 @p1 $0xFFFFFF80;
	s10 =	simm.s32 @p1 $0x80  }
0x6d: {  	[tilespmem:s11], [sflag:$0x1] =	stream.indirect.gather @p1 [hbm4b:s0+s10], $0x40, s9, s10, $0xb8;
	[tilespmem:$0x1CA00] =	vst v63  }
0x6e: {  	_ =	swait.ge @p1 [sflag:s2], $0x2000  }
0x6f: {  	[sflag:s2] =	ssyncset.done @p1 $0x0  }
0x70: {  	s9 =	simm.s32 @p1 $0x1AA00;
	[sflag:s2] =	ssyncadd.s32 @p1 $0xFFFFE000;
	s2 =	simm.s32 @p1 $0x1A900  }
0x71: {  	[spmem:s3] =	stream.indirect.scatter.add.f32 @p1 [tilespmem:s9], [sflag:$0x3], $0x40, s2, s10, $0xb8;
	[tilespmem:$0x1CA00] =	vst v63  }
0x72: {  	s23 =	simm.s32 @!p1 $0x4;
	s2 =	simm.s32 @!p1 $0x0;
	s9 =	simm.s32 @!p1 $0x1A900  }
0x73: {  	[tilespmem:s9], [sflag:$0x4] =	stream.linear.gather @!p1 [hbm4b:s7+s2], $0x80, $0x38;
	[tilespmem:$0x1CA00] =	vst v63  }
0x74: {  	_ =	swait.ge @!p1 [sflag:s23], $0x80  }
0x75: {  	[sflag:s23] =	ssyncset.done @!p1 $0x0  }
0x76: {  	s9 =	simm.s32 @!p1 $0x1A980;
	[sflag:s23] =	ssyncadd.s32 @!p1 $0xFFFFFF80  }
0x77: {  	[tilespmem:s9], [sflag:$0x4] =	stream.linear.gather @!p1 [hbm4b:s5+s2], $0x80, $0x38;
	[tilespmem:$0x1CA00] =	vst v63  }
0x78: {  	_ =	swait.ge @!p1 [sflag:s23], $0x80  }
0x79: {  	s24 =	simm.s32 $0x1;
	s11 =	simm.s32 @!p1 $0x1AA00;
	[sflag:s23] =	ssyncset.done @!p1 $0x0  }
0x7a: {  	s10 =	simm.s32 @!p1 $0x80;
	s2 =	simm.s32 @!p1 $0x1;
	[sflag:s23] =	ssyncadd.s32 @!p1 $0xFFFFFF80  }
0x7b: {  	[tilespmem:s11], [sflag:$0x2] =	stream.indirect.gather @!p1 [hbm4b:s0+s10], $0x40, s9, s10, $0xb8;
	[tilespmem:$0x1CA00] =	vst v63  }
0x7c: {  	s20 =	sadd.s32 $0x100, s5;
	s26 =	sand.u32 $0x1, s24;
	_ =	swait.ge @!p1 [sflag:s2], $0x2000  }
0x7d: {  	s12 =	simm.s32 @!p1 $0x18900;
	s23 =	simm.s32 @p1 $0x3;
	[sflag:s2] =	ssyncset.done @!p1 $0x0  }
0x7e: {  	s11 =	simm.s32 $0x2;
	[sflag:s2] =	ssyncadd.s32 @!p1 $0xFFFFE000;
	s2 =	simm.s32 @!p1 $0x18800  }
0x7f: {  	[spmem:s3] =	stream.indirect.scatter.add.f32 @!p1 [tilespmem:s12], [sflag:$0x4], $0x40, s2, s10, $0xb8;
	[tilespmem:$0x1CA00] =	vst v63  }
0x80: {  	s10 =	sadd.s32 $0x100, s7;
	p1 =	seq.s32 s26, $0x1;
	_ =	swait.ge [sflag:s23], $0x2000  }
.LBB2_10:
0x81: {  	s2 =	simm.s32 @p1 $0x0  }
0x82: {  	s12 =	simm.s32 @p1 $0x18800;
	[sflag:s23] =	ssyncset.done $0x0;
	s9 =	smov.u32 s11  }
0x83: {  	s11 =	sadd.s32 $0x1, s11;
	s24 =	simm.s32 @p1 $0x4;
	[sflag:s23] =	ssyncadd.s32 $0xFFFFE000  }
0x84: {  	[tilespmem:s12], [sflag:$0x4] =	stream.linear.gather @p1 [hbm4b:s10+s2], $0x80, $0x38;
	[tilespmem:$0x1CA00] =	vst v63  }
0x85: {  	p2 =	sne.s32 s11, $0x7A;
	_ =	swait.ge @p1 [sflag:s24], $0x80  }
0x86: {  	[sflag:s24] =	ssyncset.done @p1 $0x0  }
0x87: {  	s12 =	simm.s32 @p1 $0x18880;
	[sflag:s24] =	ssyncadd.s32 @p1 $0xFFFFFF80  }
0x88: {  	[tilespmem:s12], [sflag:$0x4] =	stream.linear.gather @p1 [hbm4b:s20+s2], $0x80, $0x38;
	[tilespmem:$0x1CA00] =	vst v63  }
0x89: {  	_ =	swait.ge @p1 [sflag:s24], $0x80  }
0x8a: {  	s2 =	simm.s32 @p1 $0x2;
	[sflag:s24] =	ssyncset.done @p1 $0x0  }
0x8b: {  	s23 =	simm.s32 @p1 $0x80;
	[sflag:s24] =	ssyncadd.s32 @p1 $0xFFFFFF80;
	s24 =	simm.s32 @p1 $0x18900  }
0x8c: {  	[tilespmem:s24], [sflag:$0x1] =	stream.indirect.gather @p1 [hbm4b:s0+s23], $0x40, s12, s23, $0xb8;
	[tilespmem:$0x1CA00] =	vst v63  }
0x8d: {  	_ =	swait.ge @p1 [sflag:s2], $0x2000  }
0x8e: {  	[sflag:s2] =	ssyncset.done @p1 $0x0  }
0x8f: {  	s12 =	simm.s32 @p1 $0x1AA00;
	[sflag:s2] =	ssyncadd.s32 @p1 $0xFFFFE000;
	s2 =	simm.s32 @p1 $0x1A900  }
0x90: {  	[spmem:s3] =	stream.indirect.scatter.add.f32 @p1 [tilespmem:s12], [sflag:$0x3], $0x40, s2, s23, $0xb8;
	[tilespmem:$0x1CA00] =	vst v63  }
0x91: {  	s2 =	simm.s32 @!p1 $0x0;
	s12 =	simm.s32 @!p1 $0x1A900;
	s23 =	simm.s32 @!p1 $0x4  }
0x92: {  	[tilespmem:s12], [sflag:$0x4] =	stream.linear.gather @!p1 [hbm4b:s10+s2], $0x80, $0x38;
	[tilespmem:$0x1CA00] =	vst v63  }
0x93: {  	_ =	swait.ge @!p1 [sflag:s23], $0x80  }
0x94: {  	[sflag:s23] =	ssyncset.done @!p1 $0x0  }
0x95: {  	s12 =	simm.s32 @!p1 $0x1A980;
	[sflag:s23] =	ssyncadd.s32 @!p1 $0xFFFFFF80  }
0x96: {  	[tilespmem:s12], [sflag:$0x4] =	stream.linear.gather @!p1 [hbm4b:s20+s2], $0x80, $0x38;
	[tilespmem:$0x1CA00] =	vst v63  }
0x97: {  	_ =	swait.ge @!p1 [sflag:s23], $0x80  }
0x98: {  	s2 =	simm.s32 @!p1 $0x1;
	[sflag:s23] =	ssyncset.done @!p1 $0x0  }
0x99: {  	s26 =	simm.s32 @!p1 $0x1AA00;
	s24 =	simm.s32 @!p1 $0x80;
	[sflag:s23] =	ssyncadd.s32 @!p1 $0xFFFFFF80  }
0x9a: {  	[tilespmem:s26], [sflag:$0x2] =	stream.indirect.gather @!p1 [hbm4b:s0+s24], $0x40, s12, s24, $0xb8;
	[tilespmem:$0x1CA00] =	vst v63  }
.Ltmp3:
0x9b: {  	s10 =	sadd.s32 $0x100, s10;
	_ =	swait.ge @!p1 [sflag:s2], $0x2000;
	(pc) =	sbr.rel @p2 .LBB2_10-.Ltmp3, $4  }
0x9c: {  	s9 =	sand.u32 $0x1, s9;
	s12 =	simm.s32 @!p1 $0x18900;
	[sflag:s2] =	ssyncset.done @!p1 $0x0  }
0x9d: {  	s23 =	simm.s32 @p1 $0x3;
	[sflag:s2] =	ssyncadd.s32 @!p1 $0xFFFFE000;
	s2 =	simm.s32 @!p1 $0x18800  }
0x9e: {  	[spmem:s3] =	stream.indirect.scatter.add.f32 @!p1 [tilespmem:s12], [sflag:$0x4], $0x40, s2, s24, $0xb8;
	[tilespmem:$0x1CA00] =	vst v63  }
0x9f: {  	s20 =	sadd.s32 $0x100, s20;
	p1 =	seq.s32 s9, $0x1;
	_ =	swait.ge [sflag:s23], $0x2000  }
0xa0: {  	s2 =	simm.s32 @p1 $0x0;
	[sflag:s23] =	ssyncset.done $0x0  }
0xa1: {  	s9 =	simm.s32 @p1 $0x18800;
	s11 =	simm.s32 @p1 $0x4;
	[sflag:s23] =	ssyncadd.s32 $0xFFFFE000  }
0xa2: {  	[tilespmem:s9], [sflag:$0x4] =	stream.linear.gather @p1 [hbm4b:s10+s2], $0x80, $0x38;
	[tilespmem:$0x1CA00] =	vst v63  }
0xa3: {  	_ =	swait.ge @p1 [sflag:s11], $0x80  }
0xa4: {  	[sflag:s11] =	ssyncset.done @p1 $0x0  }
0xa5: {  	s9 =	simm.s32 @p1 $0x18880;
	[sflag:s11] =	ssyncadd.s32 @p1 $0xFFFFFF80  }
0xa6: {  	[tilespmem:s9], [sflag:$0x4] =	stream.linear.gather @p1 [hbm4b:s20+s2], $0x80, $0x38;
	[tilespmem:$0x1CA00] =	vst v63  }
0xa7: {  	_ =	swait.ge @p1 [sflag:s11], $0x80  }
0xa8: {  	s12 =	simm.s32 @p1 $0x18900;
	[sflag:s11] =	ssyncset.done @p1 $0x0  }
0xa9: {  	s2 =	simm.s32 @p1 $0x2;
	[sflag:s11] =	ssyncadd.s32 @p1 $0xFFFFFF80;
	s11 =	simm.s32 @p1 $0x80  }
0xaa: {  	[tilespmem:s12], [sflag:$0x1] =	stream.indirect.gather @p1 [hbm4b:s0+s11], $0x40, s9, s11, $0xb8;
	[tilespmem:$0x1CA00] =	vst v63  }
0xab: {  	_ =	swait.ge @p1 [sflag:s2], $0x2000  }
0xac: {  	[sflag:s2] =	ssyncset.done @p1 $0x0  }
0xad: {  	s9 =	simm.s32 @p1 $0x1AA00;
	[sflag:s2] =	ssyncadd.s32 @p1 $0xFFFFE000;
	s2 =	simm.s32 @p1 $0x1A900  }
0xae: {  	[spmem:s3] =	stream.indirect.scatter.add.f32 @p1 [tilespmem:s9], [sflag:$0x3], $0x40, s2, s11, $0xb8;
	[tilespmem:$0x1CA00] =	vst v63  }
0xaf: {  	s2 =	simm.s32 @!p1 $0x0;
	s9 =	simm.s32 @!p1 $0x1A900;
	s11 =	simm.s32 @!p1 $0x4  }
0xb0: {  	[tilespmem:s9], [sflag:$0x4] =	stream.linear.gather @!p1 [hbm4b:s10+s2], $0x80, $0x38;
	[tilespmem:$0x1CA00] =	vst v63  }
0xb1: {  	_ =	swait.ge @!p1 [sflag:s11], $0x80  }
0xb2: {  	[sflag:s11] =	ssyncset.done @!p1 $0x0  }
0xb3: {  	s9 =	simm.s32 @!p1 $0x1A980;
	[sflag:s11] =	ssyncadd.s32 @!p1 $0xFFFFFF80  }
0xb4: {  	[tilespmem:s9], [sflag:$0x4] =	stream.linear.gather @!p1 [hbm4b:s20+s2], $0x80, $0x38;
	[tilespmem:$0x1CA00] =	vst v63  }
0xb5: {  	_ =	swait.ge @!p1 [sflag:s11], $0x80  }
0xb6: {  	s12 =	simm.s32 @!p1 $0x1AA00;
	[sflag:s11] =	ssyncset.done @!p1 $0x0  }
0xb7: {  	s10 =	simm.s32 @!p1 $0x80;
	s2 =	simm.s32 @!p1 $0x1;
	[sflag:s11] =	ssyncadd.s32 @!p1 $0xFFFFFF80  }
0xb8: {  	[tilespmem:s12], [sflag:$0x2] =	stream.indirect.gather @!p1 [hbm4b:s0+s10], $0x40, s9, s10, $0xb8;
	[tilespmem:$0x1CA00] =	vst v63  }
0xb9: {  	_ =	swait.ge @!p1 [sflag:s2], $0x2000  }
0xba: {  	s11 =	simm.s32 @p1 $0x3;
	[sflag:s2] =	ssyncset.done @!p1 $0x0  }
0xbb: {  	s9 =	simm.s32 @!p1 $0x18900;
	[sflag:s2] =	ssyncadd.s32 @!p1 $0xFFFFE000;
	s2 =	simm.s32 @!p1 $0x18800  }
0xbc: {  	[spmem:s3] =	stream.indirect.scatter.add.f32 @!p1 [tilespmem:s9], [sflag:$0x4], $0x40, s2, s10, $0xb8;
	[tilespmem:$0x1CA00] =	vst v63  }
0xbd: {  	_ =	swait.ge [sflag:s11], $0x2000  }
0xbe: {  	[sflag:s11] =	ssyncset.done $0x0  }
0xbf: {  	[sflag:s11] =	ssyncadd.s32 $0xFFFFE000  }
0xc0: {  	_ =	swait.ge [sflag:s21], $0x2000  }
0xc1: {  	[sflag:s21] =	ssyncset.done $0x0  }
0xc2: {  	[sflag:s21] =	ssyncadd.s32 $0xFFFFE000  }
0xc3: {  	[spmem:s3] =	stream.indirect.scatter.add.f32 [tilespmem:s19], [sflag:$0x4], $0x40, s8, s18, $0xb8;
	[tilespmem:$0x1CA00] =	vst v63  }
0xc4: {  	_ =	swait.ge [sflag:s22], $0x2000  }
0xc5: {  	[sflag:s22] =	ssyncset.done $0x0  }
0xc6: {  	[sflag:s22] =	ssyncadd.s32 $0xFFFFE000  }
0xc7: {  	[bflag:$0x0] =	sbarrier.arrive $0xFFFF  }
0xc8: {  	s10 =	rddreg [dreg:$0x1a]  }
0xc9: {  	[hbm:s10], [sflag:s25] =	dma.local [spmem:s17], $0x3100  }
0xca: {  	_ =	swait.ge [sflag:s15], $0x3100  }
0xcb: {  	[sflag:s15] =	ssyncset.done $0x0  }
0xcc: {  	[sflag:s15] =	ssyncadd.s32 $0xFFFFCF00  }
0xcd: {  	[bflag:$0x0] =	sbarrier.arrive $0xFFFF  }
0xce: {  	s11 =	rddreg [dreg:$0x6]  }
0xcf: {  	[spmem:s17], [sflag:s25] =	dma.local [hbm:s11], $0x3100  }
0xd0: {  	_ =	swait.ge [sflag:s15], $0x3100  }
0xd1: {  	[sflag:s15] =	ssyncset.done $0x0  }
0xd2: {  	[sflag:s15] =	ssyncadd.s32 $0xFFFFCF00  }
0xd3: {  	[bflag:$0x0] =	sbarrier.arrive $0xFFFF  }
0xd4: {  	s12 =	simm.s32 $0x0;
	s20 =	rddreg [dreg:$0x1b]  }
0xd5: {  	[tilespmem:s8], [sflag:$0x3] =	stream.linear.gather [hbm4b:s20+s12], $0x80, $0x38;
	[tilespmem:$0x1CA00] =	vst v63  }
0xd6: {  	_ =	swait.ge [sflag:s15], $0x80  }
0xd7: {  	[sflag:s15] =	ssyncset.done $0x0  }
0xd8: {  	s23 =	rddreg [dreg:$0x1c];
	[sflag:s15] =	ssyncadd.s32 $0xFFFFFF80  }
0xd9: {  	[tilespmem:s16], [sflag:$0x3] =	stream.linear.gather [hbm4b:s23+s12], $0x80, $0x38;
	[tilespmem:$0x1CA00] =	vst v63  }
0xda: {  	_ =	swait.ge [sflag:s15], $0x80  }
0xdb: {  	s2 =	sand.u32 $0x1, s12;
	[sflag:s15] =	ssyncset.done $0x0  }
0xdc: {  	p1 =	seq.s32 s2, $0x1;
	[sflag:s15] =	ssyncadd.s32 $0xFFFFFF80  }
0xdd: {  	[tilespmem:s19], [sflag:$0x1] =	stream.indirect.gather [hbm4b:s6+s18], $0x40, s16, s18, $0xb8;
	[tilespmem:$0x1CA00] =	vst v63  }
0xde: {  	s2 =	simm.s32 @p1 $0x0;
	s9 =	simm.s32 @p1 $0x18800;
	s10 =	simm.s32 @p1 $0x4  }
0xdf: {  	[tilespmem:s9], [sflag:$0x4] =	stream.linear.gather @p1 [hbm4b:s14+s2], $0x80, $0x38;
	[tilespmem:$0x1CA00] =	vst v63  }
0xe0: {  	_ =	swait.ge @p1 [sflag:s10], $0x80  }
0xe1: {  	[sflag:s10] =	ssyncset.done @p1 $0x0  }
0xe2: {  	s9 =	simm.s32 @p1 $0x18880;
	[sflag:s10] =	ssyncadd.s32 @p1 $0xFFFFFF80  }
0xe3: {  	[tilespmem:s9], [sflag:$0x4] =	stream.linear.gather @p1 [hbm4b:s13+s2], $0x80, $0x38;
	[tilespmem:$0x1CA00] =	vst v63  }
0xe4: {  	_ =	swait.ge @p1 [sflag:s10], $0x80  }
0xe5: {  	s11 =	simm.s32 @p1 $0x18900;
	[sflag:s10] =	ssyncset.done @p1 $0x0  }
0xe6: {  	s2 =	simm.s32 @p1 $0x2;
	[sflag:s10] =	ssyncadd.s32 @p1 $0xFFFFFF80;
	s10 =	simm.s32 @p1 $0x80  }
0xe7: {  	[tilespmem:s11], [sflag:$0x1] =	stream.indirect.gather @p1 [hbm4b:s6+s10], $0x40, s9, s10, $0xb8;
	[tilespmem:$0x1CA00] =	vst v63  }
0xe8: {  	_ =	swait.ge @p1 [sflag:s2], $0x2000  }
0xe9: {  	[sflag:s2] =	ssyncset.done @p1 $0x0  }
0xea: {  	s9 =	simm.s32 @p1 $0x1AA00;
	[sflag:s2] =	ssyncadd.s32 @p1 $0xFFFFE000;
	s2 =	simm.s32 @p1 $0x1A900  }
0xeb: {  	[spmem:s3] =	stream.indirect.scatter.add.f32 @p1 [tilespmem:s9], [sflag:$0x3], $0x40, s2, s10, $0xb8;
	[tilespmem:$0x1CA00] =	vst v63  }
0xec: {  	s23 =	simm.s32 @!p1 $0x4;
	s2 =	simm.s32 @!p1 $0x0;
	s9 =	simm.s32 @!p1 $0x1A900  }
0xed: {  	[tilespmem:s9], [sflag:$0x4] =	stream.linear.gather @!p1 [hbm4b:s14+s2], $0x80, $0x38;
	[tilespmem:$0x1CA00] =	vst v63  }
0xee: {  	_ =	swait.ge @!p1 [sflag:s23], $0x80  }
0xef: {  	[sflag:s23] =	ssyncset.done @!p1 $0x0  }
0xf0: {  	s9 =	simm.s32 @!p1 $0x1A980;
	[sflag:s23] =	ssyncadd.s32 @!p1 $0xFFFFFF80  }
0xf1: {  	[tilespmem:s9], [sflag:$0x4] =	stream.linear.gather @!p1 [hbm4b:s13+s2], $0x80, $0x38;
	[tilespmem:$0x1CA00] =	vst v63  }
0xf2: {  	_ =	swait.ge @!p1 [sflag:s23], $0x80  }
0xf3: {  	s24 =	simm.s32 $0x1;
	s11 =	simm.s32 @!p1 $0x1AA00;
	[sflag:s23] =	ssyncset.done @!p1 $0x0  }
0xf4: {  	s10 =	simm.s32 @!p1 $0x80;
	s2 =	simm.s32 @!p1 $0x1;
	[sflag:s23] =	ssyncadd.s32 @!p1 $0xFFFFFF80  }
0xf5: {  	[tilespmem:s11], [sflag:$0x2] =	stream.indirect.gather @!p1 [hbm4b:s6+s10], $0x40, s9, s10, $0xb8;
	[tilespmem:$0x1CA00] =	vst v63  }
0xf6: {  	s26 =	sand.u32 $0x1, s24;
	s20 =	sadd.s32 $0x100, s13;
	_ =	swait.ge @!p1 [sflag:s2], $0x2000  }
0xf7: {  	s12 =	simm.s32 @!p1 $0x18900;
	s23 =	simm.s32 @p1 $0x3;
	[sflag:s2] =	ssyncset.done @!p1 $0x0  }
0xf8: {  	s11 =	simm.s32 $0x2;
	[sflag:s2] =	ssyncadd.s32 @!p1 $0xFFFFE000;
	s2 =	simm.s32 @!p1 $0x18800  }
0xf9: {  	[spmem:s3] =	stream.indirect.scatter.add.f32 @!p1 [tilespmem:s12], [sflag:$0x4], $0x40, s2, s10, $0xb8;
	[tilespmem:$0x1CA00] =	vst v63  }
0xfa: {  	s10 =	sadd.s32 $0x100, s14;
	p1 =	seq.s32 s26, $0x1;
	_ =	swait.ge [sflag:s23], $0x2000  }
.LBB2_12:
0xfb: {  	s2 =	simm.s32 @p1 $0x0  }
0xfc: {  	s12 =	simm.s32 @p1 $0x18800;
	[sflag:s23] =	ssyncset.done $0x0;
	s9 =	smov.u32 s11  }
0xfd: {  	s11 =	sadd.s32 $0x1, s11;
	s24 =	simm.s32 @p1 $0x4;
	[sflag:s23] =	ssyncadd.s32 $0xFFFFE000  }
0xfe: {  	[tilespmem:s12], [sflag:$0x4] =	stream.linear.gather @p1 [hbm4b:s10+s2], $0x80, $0x38;
	[tilespmem:$0x1CA00] =	vst v63  }
0xff: {  	p2 =	sne.s32 s11, $0xB7;
	_ =	swait.ge @p1 [sflag:s24], $0x80  }
0x100: {  	[sflag:s24] =	ssyncset.done @p1 $0x0  }
0x101: {  	s12 =	simm.s32 @p1 $0x18880;
	[sflag:s24] =	ssyncadd.s32 @p1 $0xFFFFFF80  }
0x102: {  	[tilespmem:s12], [sflag:$0x4] =	stream.linear.gather @p1 [hbm4b:s20+s2], $0x80, $0x38;
	[tilespmem:$0x1CA00] =	vst v63  }
0x103: {  	_ =	swait.ge @p1 [sflag:s24], $0x80  }
0x104: {  	s2 =	simm.s32 @p1 $0x2;
	[sflag:s24] =	ssyncset.done @p1 $0x0  }
0x105: {  	s23 =	simm.s32 @p1 $0x80;
	[sflag:s24] =	ssyncadd.s32 @p1 $0xFFFFFF80;
	s24 =	simm.s32 @p1 $0x18900  }
0x106: {  	[tilespmem:s24], [sflag:$0x1] =	stream.indirect.gather @p1 [hbm4b:s6+s23], $0x40, s12, s23, $0xb8;
	[tilespmem:$0x1CA00] =	vst v63  }
0x107: {  	_ =	swait.ge @p1 [sflag:s2], $0x2000  }
0x108: {  	[sflag:s2] =	ssyncset.done @p1 $0x0  }
0x109: {  	s12 =	simm.s32 @p1 $0x1AA00;
	[sflag:s2] =	ssyncadd.s32 @p1 $0xFFFFE000;
	s2 =	simm.s32 @p1 $0x1A900  }
0x10a: {  	[spmem:s3] =	stream.indirect.scatter.add.f32 @p1 [tilespmem:s12], [sflag:$0x3], $0x40, s2, s23, $0xb8;
	[tilespmem:$0x1CA00] =	vst v63  }
0x10b: {  	s2 =	simm.s32 @!p1 $0x0;
	s12 =	simm.s32 @!p1 $0x1A900;
	s23 =	simm.s32 @!p1 $0x4  }
0x10c: {  	[tilespmem:s12], [sflag:$0x4] =	stream.linear.gather @!p1 [hbm4b:s10+s2], $0x80, $0x38;
	[tilespmem:$0x1CA00] =	vst v63  }
0x10d: {  	_ =	swait.ge @!p1 [sflag:s23], $0x80  }
0x10e: {  	[sflag:s23] =	ssyncset.done @!p1 $0x0  }
0x10f: {  	s12 =	simm.s32 @!p1 $0x1A980;
	[sflag:s23] =	ssyncadd.s32 @!p1 $0xFFFFFF80  }
0x110: {  	[tilespmem:s12], [sflag:$0x4] =	stream.linear.gather @!p1 [hbm4b:s20+s2], $0x80, $0x38;
	[tilespmem:$0x1CA00] =	vst v63  }
0x111: {  	_ =	swait.ge @!p1 [sflag:s23], $0x80  }
0x112: {  	s2 =	simm.s32 @!p1 $0x1;
	[sflag:s23] =	ssyncset.done @!p1 $0x0  }
0x113: {  	s26 =	simm.s32 @!p1 $0x1AA00;
	s24 =	simm.s32 @!p1 $0x80;
	[sflag:s23] =	ssyncadd.s32 @!p1 $0xFFFFFF80  }
0x114: {  	[tilespmem:s26], [sflag:$0x2] =	stream.indirect.gather @!p1 [hbm4b:s6+s24], $0x40, s12, s24, $0xb8;
	[tilespmem:$0x1CA00] =	vst v63  }
.Ltmp4:
0x115: {  	s10 =	sadd.s32 $0x100, s10;
	_ =	swait.ge @!p1 [sflag:s2], $0x2000;
	(pc) =	sbr.rel @p2 .LBB2_12-.Ltmp4, $4  }
0x116: {  	s9 =	sand.u32 $0x1, s9;
	s12 =	simm.s32 @!p1 $0x18900;
	[sflag:s2] =	ssyncset.done @!p1 $0x0  }
0x117: {  	s23 =	simm.s32 @p1 $0x3;
	[sflag:s2] =	ssyncadd.s32 @!p1 $0xFFFFE000;
	s2 =	simm.s32 @!p1 $0x18800  }
0x118: {  	[spmem:s3] =	stream.indirect.scatter.add.f32 @!p1 [tilespmem:s12], [sflag:$0x4], $0x40, s2, s24, $0xb8;
	[tilespmem:$0x1CA00] =	vst v63  }
0x119: {  	s20 =	sadd.s32 $0x100, s20;
	p1 =	seq.s32 s9, $0x1;
	_ =	swait.ge [sflag:s23], $0x2000  }
.Ltmp5:
0x11a: {  	_ = 	snop;
	(pc) =	sbr.rel .LBB2_13-.Ltmp5, $1  }
0x11b: {  	_ =	sdelay $0x3  }
.LBB2_2:
0x11c: {  	s9 =	simm.s32 $0x0;
	s2 =	rddreg [dreg:$0xf]  }
0x11d: {  	[tilespmem:s8], [sflag:$0x3] =	stream.linear.gather [hbm4b:s2+s9], $0x80, $0x38;
	[tilespmem:$0x1CA00] =	vst v63  }
0x11e: {  	_ =	swait.ge [sflag:s15], $0x80  }
0x11f: {  	[sflag:s15] =	ssyncset.done $0x0  }
0x120: {  	s11 =	rddreg [dreg:$0x10];
	[sflag:s15] =	ssyncadd.s32 $0xFFFFFF80  }
0x121: {  	[tilespmem:s16], [sflag:$0x3] =	stream.linear.gather [hbm4b:s11+s9], $0x80, $0x38;
	[tilespmem:$0x1CA00] =	vst v63  }
0x122: {  	_ =	swait.ge [sflag:s15], $0x80  }
0x123: {  	s9 =	sand.u32 $0x1, s9;
	[sflag:s15] =	ssyncset.done $0x0  }
0x124: {  	p1 =	seq.s32 s9, $0x1;
	[sflag:s15] =	ssyncadd.s32 $0xFFFFFF80  }
0x125: {  	[tilespmem:s19], [sflag:$0x1] =	stream.indirect.gather [hbm4b:s0+s18], $0x40, s16, s18, $0xb8;
	[tilespmem:$0x1CA00] =	vst v63  }
0x126: {  	s9 =	simm.s32 @p1 $0x0;
	s10 =	simm.s32 @p1 $0x18800;
	s11 =	simm.s32 @p1 $0x4  }
0x127: {  	[tilespmem:s10], [sflag:$0x4] =	stream.linear.gather @p1 [hbm4b:s28+s9], $0x80, $0x38;
	[tilespmem:$0x1CA00] =	vst v63  }
0x128: {  	_ =	swait.ge @p1 [sflag:s11], $0x80  }
0x129: {  	[sflag:s11] =	ssyncset.done @p1 $0x0  }
0x12a: {  	s10 =	simm.s32 @p1 $0x18880;
	s2 =	rddreg [dreg:$0x1e];
	[sflag:s11] =	ssyncadd.s32 @p1 $0xFFFFFF80  }
0x12b: {  	[tilespmem:s10], [sflag:$0x4] =	stream.linear.gather @p1 [hbm4b:s2+s9], $0x80, $0x38;
	[tilespmem:$0x1CA00] =	vst v63  }
0x12c: {  	_ =	swait.ge @p1 [sflag:s11], $0x80  }
0x12d: {  	s20 =	simm.s32 @p1 $0x18900;
	[sflag:s11] =	ssyncset.done @p1 $0x0  }
0x12e: {  	s9 =	simm.s32 @p1 $0x2;
	[sflag:s11] =	ssyncadd.s32 @p1 $0xFFFFFF80;
	s11 =	simm.s32 @p1 $0x80  }
0x12f: {  	[tilespmem:s20], [sflag:$0x1] =	stream.indirect.gather @p1 [hbm4b:s0+s11], $0x40, s10, s11, $0xb8;
	[tilespmem:$0x1CA00] =	vst v63  }
0x130: {  	_ =	swait.ge @p1 [sflag:s9], $0x2000  }
0x131: {  	[sflag:s9] =	ssyncset.done @p1 $0x0  }
0x132: {  	s10 =	simm.s32 @p1 $0x1AA00;
	[sflag:s9] =	ssyncadd.s32 @p1 $0xFFFFE000;
	s9 =	simm.s32 @p1 $0x1A900  }
0x133: {  	[spmem:s3] =	stream.indirect.scatter.add.f32 @p1 [tilespmem:s10], [sflag:$0x3], $0x40, s9, s11, $0xb8;
	[tilespmem:$0x1CA00] =	vst v63  }
0x134: {  	s23 =	simm.s32 @!p1 $0x4;
	s9 =	simm.s32 @!p1 $0x0;
	s10 =	simm.s32 @!p1 $0x1A900  }
0x135: {  	[tilespmem:s10], [sflag:$0x4] =	stream.linear.gather @!p1 [hbm4b:s28+s9], $0x80, $0x38;
	[tilespmem:$0x1CA00] =	vst v63  }
0x136: {  	_ =	swait.ge @!p1 [sflag:s23], $0x80  }
0x137: {  	[sflag:s23] =	ssyncset.done @!p1 $0x0  }
0x138: {  	s10 =	simm.s32 @!p1 $0x1A980;
	[sflag:s23] =	ssyncadd.s32 @!p1 $0xFFFFFF80  }
0x139: {  	[tilespmem:s10], [sflag:$0x4] =	stream.linear.gather @!p1 [hbm4b:s2+s9], $0x80, $0x38;
	[tilespmem:$0x1CA00] =	vst v63  }
0x13a: {  	_ =	swait.ge @!p1 [sflag:s23], $0x80  }
0x13b: {  	s12 =	simm.s32 $0x1;
	s20 =	simm.s32 @!p1 $0x80;
	[sflag:s23] =	ssyncset.done @!p1 $0x0  }
0x13c: {  	s11 =	simm.s32 @!p1 $0x1AA00;
	s9 =	simm.s32 @!p1 $0x1;
	[sflag:s23] =	ssyncadd.s32 @!p1 $0xFFFFFF80  }
0x13d: {  	[tilespmem:s11], [sflag:$0x2] =	stream.indirect.gather @!p1 [hbm4b:s0+s20], $0x40, s10, s20, $0xb8;
	[tilespmem:$0x1CA00] =	vst v63  }
0x13e: {  	s26 =	sand.u32 $0x1, s12;
	s24 =	simm.s32 @!p1 $0x18900;
	_ =	swait.ge @!p1 [sflag:s9], $0x2000  }
0x13f: {  	s23 =	simm.s32 @p1 $0x3;
	s11 =	simm.s32 $0x2;
	[sflag:s9] =	ssyncset.done @!p1 $0x0  }
0x140: {  	s10 =	sadd.s32 $0x100, s2;
	[sflag:s9] =	ssyncadd.s32 @!p1 $0xFFFFE000;
	s9 =	simm.s32 @!p1 $0x18800  }
0x141: {  	[spmem:s3] =	stream.indirect.scatter.add.f32 @!p1 [tilespmem:s24], [sflag:$0x4], $0x40, s9, s20, $0xb8;
	[tilespmem:$0x1CA00] =	vst v63  }
0x142: {  	s20 =	sadd.s32 $0x100, s28;
	p1 =	seq.s32 s26, $0x1;
	_ =	swait.ge [sflag:s23], $0x2000  }
.LBB2_3:
0x143: {  	s24 =	simm.s32 @p1 $0x0  }
0x144: {  	s12 =	simm.s32 @p1 $0x18800;
	[sflag:s23] =	ssyncset.done $0x0;
	s9 =	smov.u32 s11  }
0x145: {  	s11 =	sadd.s32 $0x1, s11;
	s2 =	simm.s32 @p1 $0x4;
	[sflag:s23] =	ssyncadd.s32 $0xFFFFE000  }
0x146: {  	[tilespmem:s12], [sflag:$0x4] =	stream.linear.gather @p1 [hbm4b:s20+s24], $0x80, $0x38;
	[tilespmem:$0x1CA00] =	vst v63  }
0x147: {  	p2 =	sne.s32 s11, $0x7A;
	_ =	swait.ge @p1 [sflag:s2], $0x80  }
0x148: {  	[sflag:s2] =	ssyncset.done @p1 $0x0  }
0x149: {  	s12 =	simm.s32 @p1 $0x18880;
	[sflag:s2] =	ssyncadd.s32 @p1 $0xFFFFFF80  }
0x14a: {  	[tilespmem:s12], [sflag:$0x4] =	stream.linear.gather @p1 [hbm4b:s10+s24], $0x80, $0x38;
	[tilespmem:$0x1CA00] =	vst v63  }
0x14b: {  	_ =	swait.ge @p1 [sflag:s2], $0x80  }
0x14c: {  	s23 =	simm.s32 @p1 $0x2;
	[sflag:s2] =	ssyncset.done @p1 $0x0  }
0x14d: {  	s24 =	simm.s32 @p1 $0x18900;
	[sflag:s2] =	ssyncadd.s32 @p1 $0xFFFFFF80;
	s2 =	simm.s32 @p1 $0x80  }
0x14e: {  	[tilespmem:s24], [sflag:$0x1] =	stream.indirect.gather @p1 [hbm4b:s0+s2], $0x40, s12, s2, $0xb8;
	[tilespmem:$0x1CA00] =	vst v63  }
0x14f: {  	_ =	swait.ge @p1 [sflag:s23], $0x2000  }
0x150: {  	[sflag:s23] =	ssyncset.done @p1 $0x0  }
0x151: {  	s12 =	simm.s32 @p1 $0x1A900;
	[sflag:s23] =	ssyncadd.s32 @p1 $0xFFFFE000;
	s23 =	simm.s32 @p1 $0x1AA00  }
0x152: {  	[spmem:s3] =	stream.indirect.scatter.add.f32 @p1 [tilespmem:s23], [sflag:$0x3], $0x40, s12, s2, $0xb8;
	[tilespmem:$0x1CA00] =	vst v63  }
0x153: {  	s2 =	simm.s32 @!p1 $0x0;
	s12 =	simm.s32 @!p1 $0x1A900;
	s23 =	simm.s32 @!p1 $0x4  }
0x154: {  	[tilespmem:s12], [sflag:$0x4] =	stream.linear.gather @!p1 [hbm4b:s20+s2], $0x80, $0x38;
	[tilespmem:$0x1CA00] =	vst v63  }
0x155: {  	_ =	swait.ge @!p1 [sflag:s23], $0x80  }
0x156: {  	[sflag:s23] =	ssyncset.done @!p1 $0x0  }
0x157: {  	s12 =	simm.s32 @!p1 $0x1A980;
	[sflag:s23] =	ssyncadd.s32 @!p1 $0xFFFFFF80  }
0x158: {  	[tilespmem:s12], [sflag:$0x4] =	stream.linear.gather @!p1 [hbm4b:s10+s2], $0x80, $0x38;
	[tilespmem:$0x1CA00] =	vst v63  }
0x159: {  	_ =	swait.ge @!p1 [sflag:s23], $0x80  }
0x15a: {  	s2 =	simm.s32 @!p1 $0x1;
	[sflag:s23] =	ssyncset.done @!p1 $0x0  }
0x15b: {  	s26 =	simm.s32 @!p1 $0x1AA00;
	s24 =	simm.s32 @!p1 $0x80;
	[sflag:s23] =	ssyncadd.s32 @!p1 $0xFFFFFF80  }
0x15c: {  	[tilespmem:s26], [sflag:$0x2] =	stream.indirect.gather @!p1 [hbm4b:s0+s24], $0x40, s12, s24, $0xb8;
	[tilespmem:$0x1CA00] =	vst v63  }
.Ltmp6:
0x15d: {  	s20 =	sadd.s32 $0x100, s20;
	_ =	swait.ge @!p1 [sflag:s2], $0x2000;
	(pc) =	sbr.rel @p2 .LBB2_3-.Ltmp6, $4  }
0x15e: {  	s9 =	sand.u32 $0x1, s9;
	s12 =	simm.s32 @!p1 $0x18900;
	[sflag:s2] =	ssyncset.done @!p1 $0x0  }
0x15f: {  	s23 =	simm.s32 @p1 $0x3;
	[sflag:s2] =	ssyncadd.s32 @!p1 $0xFFFFE000;
	s2 =	simm.s32 @!p1 $0x18800  }
0x160: {  	[spmem:s3] =	stream.indirect.scatter.add.f32 @!p1 [tilespmem:s12], [sflag:$0x4], $0x40, s2, s24, $0xb8;
	[tilespmem:$0x1CA00] =	vst v63  }
0x161: {  	s10 =	sadd.s32 $0x100, s10;
	p1 =	seq.s32 s9, $0x1;
	_ =	swait.ge [sflag:s23], $0x2000  }
0x162: {  	s2 =	simm.s32 @p1 $0x0;
	[sflag:s23] =	ssyncset.done $0x0  }
0x163: {  	s9 =	simm.s32 @p1 $0x18800;
	s11 =	simm.s32 @p1 $0x4;
	[sflag:s23] =	ssyncadd.s32 $0xFFFFE000  }
0x164: {  	[tilespmem:s9], [sflag:$0x4] =	stream.linear.gather @p1 [hbm4b:s20+s2], $0x80, $0x38;
	[tilespmem:$0x1CA00] =	vst v63  }
0x165: {  	_ =	swait.ge @p1 [sflag:s11], $0x80  }
0x166: {  	[sflag:s11] =	ssyncset.done @p1 $0x0  }
0x167: {  	s9 =	simm.s32 @p1 $0x18880;
	[sflag:s11] =	ssyncadd.s32 @p1 $0xFFFFFF80  }
0x168: {  	[tilespmem:s9], [sflag:$0x4] =	stream.linear.gather @p1 [hbm4b:s10+s2], $0x80, $0x38;
	[tilespmem:$0x1CA00] =	vst v63  }
0x169: {  	_ =	swait.ge @p1 [sflag:s11], $0x80  }
0x16a: {  	s12 =	simm.s32 @p1 $0x18900;
	[sflag:s11] =	ssyncset.done @p1 $0x0  }
0x16b: {  	s2 =	simm.s32 @p1 $0x2;
	[sflag:s11] =	ssyncadd.s32 @p1 $0xFFFFFF80;
	s11 =	simm.s32 @p1 $0x80  }
0x16c: {  	[tilespmem:s12], [sflag:$0x1] =	stream.indirect.gather @p1 [hbm4b:s0+s11], $0x40, s9, s11, $0xb8;
	[tilespmem:$0x1CA00] =	vst v63  }
0x16d: {  	_ =	swait.ge @p1 [sflag:s2], $0x2000  }
0x16e: {  	[sflag:s2] =	ssyncset.done @p1 $0x0  }
0x16f: {  	s9 =	simm.s32 @p1 $0x1AA00;
	[sflag:s2] =	ssyncadd.s32 @p1 $0xFFFFE000;
	s2 =	simm.s32 @p1 $0x1A900  }
0x170: {  	[spmem:s3] =	stream.indirect.scatter.add.f32 @p1 [tilespmem:s9], [sflag:$0x3], $0x40, s2, s11, $0xb8;
	[tilespmem:$0x1CA00] =	vst v63  }
0x171: {  	s2 =	simm.s32 @!p1 $0x0;
	s9 =	simm.s32 @!p1 $0x1A900;
	s11 =	simm.s32 @!p1 $0x4  }
0x172: {  	[tilespmem:s9], [sflag:$0x4] =	stream.linear.gather @!p1 [hbm4b:s20+s2], $0x80, $0x38;
	[tilespmem:$0x1CA00] =	vst v63  }
0x173: {  	_ =	swait.ge @!p1 [sflag:s11], $0x80  }
0x174: {  	[sflag:s11] =	ssyncset.done @!p1 $0x0  }
0x175: {  	s9 =	simm.s32 @!p1 $0x1A980;
	[sflag:s11] =	ssyncadd.s32 @!p1 $0xFFFFFF80  }
0x176: {  	[tilespmem:s9], [sflag:$0x4] =	stream.linear.gather @!p1 [hbm4b:s10+s2], $0x80, $0x38;
	[tilespmem:$0x1CA00] =	vst v63  }
0x177: {  	_ =	swait.ge @!p1 [sflag:s11], $0x80  }
0x178: {  	s12 =	simm.s32 @!p1 $0x1AA00;
	[sflag:s11] =	ssyncset.done @!p1 $0x0  }
0x179: {  	s2 =	simm.s32 @!p1 $0x1;
	s10 =	simm.s32 @!p1 $0x80;
	[sflag:s11] =	ssyncadd.s32 @!p1 $0xFFFFFF80  }
0x17a: {  	[tilespmem:s12], [sflag:$0x2] =	stream.indirect.gather @!p1 [hbm4b:s0+s10], $0x40, s9, s10, $0xb8;
	[tilespmem:$0x1CA00] =	vst v63  }
0x17b: {  	_ =	swait.ge @!p1 [sflag:s2], $0x2000  }
0x17c: {  	s11 =	simm.s32 @p1 $0x3;
	[sflag:s2] =	ssyncset.done @!p1 $0x0  }
0x17d: {  	s9 =	simm.s32 @!p1 $0x18900;
	[sflag:s2] =	ssyncadd.s32 @!p1 $0xFFFFE000;
	s2 =	simm.s32 @!p1 $0x18800  }
0x17e: {  	[spmem:s3] =	stream.indirect.scatter.add.f32 @!p1 [tilespmem:s9], [sflag:$0x4], $0x40, s2, s10, $0xb8;
	[tilespmem:$0x1CA00] =	vst v63  }
0x17f: {  	_ =	swait.ge [sflag:s11], $0x2000  }
0x180: {  	[sflag:s11] =	ssyncset.done $0x0  }
0x181: {  	[sflag:s11] =	ssyncadd.s32 $0xFFFFE000  }
0x182: {  	_ =	swait.ge [sflag:s21], $0x2000  }
0x183: {  	[sflag:s21] =	ssyncset.done $0x0  }
0x184: {  	[sflag:s21] =	ssyncadd.s32 $0xFFFFE000  }
0x185: {  	[spmem:s3] =	stream.indirect.scatter.add.f32 [tilespmem:s19], [sflag:$0x4], $0x40, s8, s18, $0xb8;
	[tilespmem:$0x1CA00] =	vst v63  }
0x186: {  	_ =	swait.ge [sflag:s22], $0x2000  }
0x187: {  	[sflag:s22] =	ssyncset.done $0x0  }
0x188: {  	[sflag:s22] =	ssyncadd.s32 $0xFFFFE000  }
0x189: {  	[bflag:$0x0] =	sbarrier.arrive $0xFFFF  }
0x18a: {  	s10 =	rddreg [dreg:$0x12]  }
0x18b: {  	[hbm:s10], [sflag:s25] =	dma.local [spmem:s17], $0x3100  }
0x18c: {  	_ =	swait.ge [sflag:s15], $0x3100  }
0x18d: {  	[sflag:s15] =	ssyncset.done $0x0  }
0x18e: {  	[sflag:s15] =	ssyncadd.s32 $0xFFFFCF00  }
0x18f: {  	[bflag:$0x0] =	sbarrier.arrive $0xFFFF  }
0x190: {  	s11 =	rddreg [dreg:$0x6]  }
0x191: {  	[spmem:s17], [sflag:s25] =	dma.local [hbm:s11], $0x3100  }
0x192: {  	_ =	swait.ge [sflag:s15], $0x3100  }
0x193: {  	[sflag:s15] =	ssyncset.done $0x0  }
0x194: {  	[sflag:s15] =	ssyncadd.s32 $0xFFFFCF00  }
0x195: {  	[bflag:$0x0] =	sbarrier.arrive $0xFFFF  }
0x196: {  	s12 =	simm.s32 $0x0;
	s20 =	rddreg [dreg:$0x13]  }
0x197: {  	[tilespmem:s8], [sflag:$0x3] =	stream.linear.gather [hbm4b:s20+s12], $0x80, $0x38;
	[tilespmem:$0x1CA00] =	vst v63  }
0x198: {  	_ =	swait.ge [sflag:s15], $0x80  }
0x199: {  	[sflag:s15] =	ssyncset.done $0x0  }
0x19a: {  	s23 =	rddreg [dreg:$0x14];
	[sflag:s15] =	ssyncadd.s32 $0xFFFFFF80  }
0x19b: {  	[tilespmem:s16], [sflag:$0x3] =	stream.linear.gather [hbm4b:s23+s12], $0x80, $0x38;
	[tilespmem:$0x1CA00] =	vst v63  }
0x19c: {  	_ =	swait.ge [sflag:s15], $0x80  }
0x19d: {  	s2 =	sand.u32 $0x1, s12;
	[sflag:s15] =	ssyncset.done $0x0  }
0x19e: {  	p1 =	seq.s32 s2, $0x1;
	[sflag:s15] =	ssyncadd.s32 $0xFFFFFF80  }
0x19f: {  	[tilespmem:s19], [sflag:$0x1] =	stream.indirect.gather [hbm4b:s0+s18], $0x40, s16, s18, $0xb8;
	[tilespmem:$0x1CA00] =	vst v63  }
0x1a0: {  	s2 =	simm.s32 @p1 $0x0;
	s9 =	simm.s32 @p1 $0x18800;
	s10 =	simm.s32 @p1 $0x4  }
0x1a1: {  	[tilespmem:s9], [sflag:$0x4] =	stream.linear.gather @p1 [hbm4b:s30+s2], $0x80, $0x38;
	[tilespmem:$0x1CA00] =	vst v63  }
0x1a2: {  	_ =	swait.ge @p1 [sflag:s10], $0x80  }
0x1a3: {  	[sflag:s10] =	ssyncset.done @p1 $0x0  }
0x1a4: {  	s9 =	simm.s32 @p1 $0x18880;
	[sflag:s10] =	ssyncadd.s32 @p1 $0xFFFFFF80  }
0x1a5: {  	[tilespmem:s9], [sflag:$0x4] =	stream.linear.gather @p1 [hbm4b:s29+s2], $0x80, $0x38;
	[tilespmem:$0x1CA00] =	vst v63  }
0x1a6: {  	_ =	swait.ge @p1 [sflag:s10], $0x80  }
0x1a7: {  	s11 =	simm.s32 @p1 $0x18900;
	[sflag:s10] =	ssyncset.done @p1 $0x0  }
0x1a8: {  	s2 =	simm.s32 @p1 $0x2;
	[sflag:s10] =	ssyncadd.s32 @p1 $0xFFFFFF80;
	s10 =	simm.s32 @p1 $0x80  }
0x1a9: {  	[tilespmem:s11], [sflag:$0x1] =	stream.indirect.gather @p1 [hbm4b:s0+s10], $0x40, s9, s10, $0xb8;
	[tilespmem:$0x1CA00] =	vst v63  }
0x1aa: {  	_ =	swait.ge @p1 [sflag:s2], $0x2000  }
0x1ab: {  	[sflag:s2] =	ssyncset.done @p1 $0x0  }
0x1ac: {  	s9 =	simm.s32 @p1 $0x1AA00;
	[sflag:s2] =	ssyncadd.s32 @p1 $0xFFFFE000;
	s2 =	simm.s32 @p1 $0x1A900  }
0x1ad: {  	[spmem:s3] =	stream.indirect.scatter.add.f32 @p1 [tilespmem:s9], [sflag:$0x3], $0x40, s2, s10, $0xb8;
	[tilespmem:$0x1CA00] =	vst v63  }
0x1ae: {  	s23 =	simm.s32 @!p1 $0x4;
	s2 =	simm.s32 @!p1 $0x0;
	s9 =	simm.s32 @!p1 $0x1A900  }
0x1af: {  	[tilespmem:s9], [sflag:$0x4] =	stream.linear.gather @!p1 [hbm4b:s30+s2], $0x80, $0x38;
	[tilespmem:$0x1CA00] =	vst v63  }
0x1b0: {  	_ =	swait.ge @!p1 [sflag:s23], $0x80  }
0x1b1: {  	[sflag:s23] =	ssyncset.done @!p1 $0x0  }
0x1b2: {  	s9 =	simm.s32 @!p1 $0x1A980;
	[sflag:s23] =	ssyncadd.s32 @!p1 $0xFFFFFF80  }
0x1b3: {  	[tilespmem:s9], [sflag:$0x4] =	stream.linear.gather @!p1 [hbm4b:s29+s2], $0x80, $0x38;
	[tilespmem:$0x1CA00] =	vst v63  }
0x1b4: {  	_ =	swait.ge @!p1 [sflag:s23], $0x80  }
0x1b5: {  	s24 =	simm.s32 $0x1;
	s11 =	simm.s32 @!p1 $0x1AA00;
	[sflag:s23] =	ssyncset.done @!p1 $0x0  }
0x1b6: {  	s10 =	simm.s32 @!p1 $0x80;
	s2 =	simm.s32 @!p1 $0x1;
	[sflag:s23] =	ssyncadd.s32 @!p1 $0xFFFFFF80  }
0x1b7: {  	[tilespmem:s11], [sflag:$0x2] =	stream.indirect.gather @!p1 [hbm4b:s0+s10], $0x40, s9, s10, $0xb8;
	[tilespmem:$0x1CA00] =	vst v63  }
0x1b8: {  	s26 =	sand.u32 $0x1, s24;
	s20 =	sadd.s32 $0x100, s29;
	_ =	swait.ge @!p1 [sflag:s2], $0x2000  }
0x1b9: {  	s12 =	simm.s32 @!p1 $0x18900;
	s23 =	simm.s32 @p1 $0x3;
	[sflag:s2] =	ssyncset.done @!p1 $0x0  }
0x1ba: {  	s11 =	simm.s32 $0x2;
	[sflag:s2] =	ssyncadd.s32 @!p1 $0xFFFFE000;
	s2 =	simm.s32 @!p1 $0x18800  }
0x1bb: {  	[spmem:s3] =	stream.indirect.scatter.add.f32 @!p1 [tilespmem:s12], [sflag:$0x4], $0x40, s2, s10, $0xb8;
	[tilespmem:$0x1CA00] =	vst v63  }
0x1bc: {  	s10 =	sadd.s32 $0x100, s30;
	p1 =	seq.s32 s26, $0x1;
	_ =	swait.ge [sflag:s23], $0x2000  }
.LBB2_5:
0x1bd: {  	s2 =	simm.s32 @p1 $0x0  }
0x1be: {  	s12 =	simm.s32 @p1 $0x18800;
	[sflag:s23] =	ssyncset.done $0x0;
	s9 =	smov.u32 s11  }
0x1bf: {  	s11 =	sadd.s32 $0x1, s11;
	s24 =	simm.s32 @p1 $0x4;
	[sflag:s23] =	ssyncadd.s32 $0xFFFFE000  }
0x1c0: {  	[tilespmem:s12], [sflag:$0x4] =	stream.linear.gather @p1 [hbm4b:s10+s2], $0x80, $0x38;
	[tilespmem:$0x1CA00] =	vst v63  }
0x1c1: {  	p2 =	sne.s32 s11, $0x7A;
	_ =	swait.ge @p1 [sflag:s24], $0x80  }
0x1c2: {  	[sflag:s24] =	ssyncset.done @p1 $0x0  }
0x1c3: {  	s12 =	simm.s32 @p1 $0x18880;
	[sflag:s24] =	ssyncadd.s32 @p1 $0xFFFFFF80  }
0x1c4: {  	[tilespmem:s12], [sflag:$0x4] =	stream.linear.gather @p1 [hbm4b:s20+s2], $0x80, $0x38;
	[tilespmem:$0x1CA00] =	vst v63  }
0x1c5: {  	_ =	swait.ge @p1 [sflag:s24], $0x80  }
0x1c6: {  	s2 =	simm.s32 @p1 $0x2;
	[sflag:s24] =	ssyncset.done @p1 $0x0  }
0x1c7: {  	s23 =	simm.s32 @p1 $0x80;
	[sflag:s24] =	ssyncadd.s32 @p1 $0xFFFFFF80;
	s24 =	simm.s32 @p1 $0x18900  }
0x1c8: {  	[tilespmem:s24], [sflag:$0x1] =	stream.indirect.gather @p1 [hbm4b:s0+s23], $0x40, s12, s23, $0xb8;
	[tilespmem:$0x1CA00] =	vst v63  }
0x1c9: {  	_ =	swait.ge @p1 [sflag:s2], $0x2000  }
0x1ca: {  	[sflag:s2] =	ssyncset.done @p1 $0x0  }
0x1cb: {  	s12 =	simm.s32 @p1 $0x1AA00;
	[sflag:s2] =	ssyncadd.s32 @p1 $0xFFFFE000;
	s2 =	simm.s32 @p1 $0x1A900  }
0x1cc: {  	[spmem:s3] =	stream.indirect.scatter.add.f32 @p1 [tilespmem:s12], [sflag:$0x3], $0x40, s2, s23, $0xb8;
	[tilespmem:$0x1CA00] =	vst v63  }
0x1cd: {  	s2 =	simm.s32 @!p1 $0x0;
	s12 =	simm.s32 @!p1 $0x1A900;
	s23 =	simm.s32 @!p1 $0x4  }
0x1ce: {  	[tilespmem:s12], [sflag:$0x4] =	stream.linear.gather @!p1 [hbm4b:s10+s2], $0x80, $0x38;
	[tilespmem:$0x1CA00] =	vst v63  }
0x1cf: {  	_ =	swait.ge @!p1 [sflag:s23], $0x80  }
0x1d0: {  	[sflag:s23] =	ssyncset.done @!p1 $0x0  }
0x1d1: {  	s12 =	simm.s32 @!p1 $0x1A980;
	[sflag:s23] =	ssyncadd.s32 @!p1 $0xFFFFFF80  }
0x1d2: {  	[tilespmem:s12], [sflag:$0x4] =	stream.linear.gather @!p1 [hbm4b:s20+s2], $0x80, $0x38;
	[tilespmem:$0x1CA00] =	vst v63  }
0x1d3: {  	_ =	swait.ge @!p1 [sflag:s23], $0x80  }
0x1d4: {  	s2 =	simm.s32 @!p1 $0x1;
	[sflag:s23] =	ssyncset.done @!p1 $0x0  }
0x1d5: {  	s26 =	simm.s32 @!p1 $0x1AA00;
	s24 =	simm.s32 @!p1 $0x80;
	[sflag:s23] =	ssyncadd.s32 @!p1 $0xFFFFFF80  }
0x1d6: {  	[tilespmem:s26], [sflag:$0x2] =	stream.indirect.gather @!p1 [hbm4b:s0+s24], $0x40, s12, s24, $0xb8;
	[tilespmem:$0x1CA00] =	vst v63  }
.Ltmp7:
0x1d7: {  	s10 =	sadd.s32 $0x100, s10;
	_ =	swait.ge @!p1 [sflag:s2], $0x2000;
	(pc) =	sbr.rel @p2 .LBB2_5-.Ltmp7, $4  }
0x1d8: {  	s9 =	sand.u32 $0x1, s9;
	s12 =	simm.s32 @!p1 $0x18900;
	[sflag:s2] =	ssyncset.done @!p1 $0x0  }
0x1d9: {  	s23 =	simm.s32 @p1 $0x3;
	[sflag:s2] =	ssyncadd.s32 @!p1 $0xFFFFE000;
	s2 =	simm.s32 @!p1 $0x18800  }
0x1da: {  	[spmem:s3] =	stream.indirect.scatter.add.f32 @!p1 [tilespmem:s12], [sflag:$0x4], $0x40, s2, s24, $0xb8;
	[tilespmem:$0x1CA00] =	vst v63  }
0x1db: {  	s20 =	sadd.s32 $0x100, s20;
	p1 =	seq.s32 s9, $0x1;
	_ =	swait.ge [sflag:s23], $0x2000  }
0x1dc: {  	s2 =	simm.s32 @p1 $0x0;
	[sflag:s23] =	ssyncset.done $0x0  }
0x1dd: {  	s9 =	simm.s32 @p1 $0x18800;
	s11 =	simm.s32 @p1 $0x4;
	[sflag:s23] =	ssyncadd.s32 $0xFFFFE000  }
0x1de: {  	[tilespmem:s9], [sflag:$0x4] =	stream.linear.gather @p1 [hbm4b:s10+s2], $0x80, $0x38;
	[tilespmem:$0x1CA00] =	vst v63  }
0x1df: {  	_ =	swait.ge @p1 [sflag:s11], $0x80  }
0x1e0: {  	[sflag:s11] =	ssyncset.done @p1 $0x0  }
0x1e1: {  	s9 =	simm.s32 @p1 $0x18880;
	[sflag:s11] =	ssyncadd.s32 @p1 $0xFFFFFF80  }
0x1e2: {  	[tilespmem:s9], [sflag:$0x4] =	stream.linear.gather @p1 [hbm4b:s20+s2], $0x80, $0x38;
	[tilespmem:$0x1CA00] =	vst v63  }
0x1e3: {  	_ =	swait.ge @p1 [sflag:s11], $0x80  }
0x1e4: {  	s12 =	simm.s32 @p1 $0x18900;
	[sflag:s11] =	ssyncset.done @p1 $0x0  }
0x1e5: {  	s2 =	simm.s32 @p1 $0x2;
	[sflag:s11] =	ssyncadd.s32 @p1 $0xFFFFFF80;
	s11 =	simm.s32 @p1 $0x80  }
0x1e6: {  	[tilespmem:s12], [sflag:$0x1] =	stream.indirect.gather @p1 [hbm4b:s0+s11], $0x40, s9, s11, $0xb8;
	[tilespmem:$0x1CA00] =	vst v63  }
0x1e7: {  	_ =	swait.ge @p1 [sflag:s2], $0x2000  }
0x1e8: {  	[sflag:s2] =	ssyncset.done @p1 $0x0  }
0x1e9: {  	s9 =	simm.s32 @p1 $0x1AA00;
	[sflag:s2] =	ssyncadd.s32 @p1 $0xFFFFE000;
	s2 =	simm.s32 @p1 $0x1A900  }
0x1ea: {  	[spmem:s3] =	stream.indirect.scatter.add.f32 @p1 [tilespmem:s9], [sflag:$0x3], $0x40, s2, s11, $0xb8;
	[tilespmem:$0x1CA00] =	vst v63  }
0x1eb: {  	s2 =	simm.s32 @!p1 $0x0;
	s9 =	simm.s32 @!p1 $0x1A900;
	s11 =	simm.s32 @!p1 $0x4  }
0x1ec: {  	[tilespmem:s9], [sflag:$0x4] =	stream.linear.gather @!p1 [hbm4b:s10+s2], $0x80, $0x38;
	[tilespmem:$0x1CA00] =	vst v63  }
0x1ed: {  	_ =	swait.ge @!p1 [sflag:s11], $0x80  }
0x1ee: {  	[sflag:s11] =	ssyncset.done @!p1 $0x0  }
0x1ef: {  	s9 =	simm.s32 @!p1 $0x1A980;
	[sflag:s11] =	ssyncadd.s32 @!p1 $0xFFFFFF80  }
0x1f0: {  	[tilespmem:s9], [sflag:$0x4] =	stream.linear.gather @!p1 [hbm4b:s20+s2], $0x80, $0x38;
	[tilespmem:$0x1CA00] =	vst v63  }
0x1f1: {  	_ =	swait.ge @!p1 [sflag:s11], $0x80  }
0x1f2: {  	s12 =	simm.s32 @!p1 $0x1AA00;
	[sflag:s11] =	ssyncset.done @!p1 $0x0  }
0x1f3: {  	s10 =	simm.s32 @!p1 $0x80;
	s2 =	simm.s32 @!p1 $0x1;
	[sflag:s11] =	ssyncadd.s32 @!p1 $0xFFFFFF80  }
0x1f4: {  	[tilespmem:s12], [sflag:$0x2] =	stream.indirect.gather @!p1 [hbm4b:s0+s10], $0x40, s9, s10, $0xb8;
	[tilespmem:$0x1CA00] =	vst v63  }
0x1f5: {  	_ =	swait.ge @!p1 [sflag:s2], $0x2000  }
0x1f6: {  	s11 =	simm.s32 @p1 $0x3;
	[sflag:s2] =	ssyncset.done @!p1 $0x0  }
0x1f7: {  	s9 =	simm.s32 @!p1 $0x18900;
	[sflag:s2] =	ssyncadd.s32 @!p1 $0xFFFFE000;
	s2 =	simm.s32 @!p1 $0x18800  }
0x1f8: {  	[spmem:s3] =	stream.indirect.scatter.add.f32 @!p1 [tilespmem:s9], [sflag:$0x4], $0x40, s2, s10, $0xb8;
	[tilespmem:$0x1CA00] =	vst v63  }
0x1f9: {  	_ =	swait.ge [sflag:s11], $0x2000  }
0x1fa: {  	[sflag:s11] =	ssyncset.done $0x0  }
0x1fb: {  	[sflag:s11] =	ssyncadd.s32 $0xFFFFE000  }
0x1fc: {  	_ =	swait.ge [sflag:s21], $0x2000  }
0x1fd: {  	[sflag:s21] =	ssyncset.done $0x0  }
0x1fe: {  	[sflag:s21] =	ssyncadd.s32 $0xFFFFE000  }
0x1ff: {  	[spmem:s3] =	stream.indirect.scatter.add.f32 [tilespmem:s19], [sflag:$0x4], $0x40, s8, s18, $0xb8;
	[tilespmem:$0x1CA00] =	vst v63  }
0x200: {  	_ =	swait.ge [sflag:s22], $0x2000  }
0x201: {  	[sflag:s22] =	ssyncset.done $0x0  }
0x202: {  	[sflag:s22] =	ssyncadd.s32 $0xFFFFE000  }
0x203: {  	[bflag:$0x0] =	sbarrier.arrive $0xFFFF  }
0x204: {  	s10 =	rddreg [dreg:$0x15]  }
0x205: {  	[hbm:s10], [sflag:s25] =	dma.local [spmem:s17], $0x3100  }
0x206: {  	_ =	swait.ge [sflag:s15], $0x3100  }
0x207: {  	[sflag:s15] =	ssyncset.done $0x0  }
0x208: {  	[sflag:s15] =	ssyncadd.s32 $0xFFFFCF00  }
0x209: {  	[bflag:$0x0] =	sbarrier.arrive $0xFFFF  }
0x20a: {  	s11 =	rddreg [dreg:$0x6]  }
0x20b: {  	[spmem:s17], [sflag:s25] =	dma.local [hbm:s11], $0x3100  }
0x20c: {  	_ =	swait.ge [sflag:s15], $0x3100  }
0x20d: {  	[sflag:s15] =	ssyncset.done $0x0  }
0x20e: {  	[sflag:s15] =	ssyncadd.s32 $0xFFFFCF00  }
0x20f: {  	[bflag:$0x0] =	sbarrier.arrive $0xFFFF  }
0x210: {  	s12 =	simm.s32 $0x0;
	s20 =	rddreg [dreg:$0x16]  }
0x211: {  	[tilespmem:s8], [sflag:$0x3] =	stream.linear.gather [hbm4b:s20+s12], $0x80, $0x38;
	[tilespmem:$0x1CA00] =	vst v63  }
0x212: {  	_ =	swait.ge [sflag:s15], $0x80  }
0x213: {  	[sflag:s15] =	ssyncset.done $0x0  }
0x214: {  	s23 =	rddreg [dreg:$0x19];
	[sflag:s15] =	ssyncadd.s32 $0xFFFFFF80  }
0x215: {  	[tilespmem:s16], [sflag:$0x3] =	stream.linear.gather [hbm4b:s23+s12], $0x80, $0x38;
	[tilespmem:$0x1CA00] =	vst v63  }
0x216: {  	_ =	swait.ge [sflag:s15], $0x80  }
0x217: {  	s2 =	sand.u32 $0x1, s12;
	[sflag:s15] =	ssyncset.done $0x0  }
0x218: {  	p1 =	seq.s32 s2, $0x1;
	[sflag:s15] =	ssyncadd.s32 $0xFFFFFF80  }
0x219: {  	[tilespmem:s19], [sflag:$0x1] =	stream.indirect.gather [hbm4b:s6+s18], $0x40, s16, s18, $0xb8;
	[tilespmem:$0x1CA00] =	vst v63  }
0x21a: {  	s2 =	simm.s32 @p1 $0x0;
	s9 =	simm.s32 @p1 $0x18800;
	s10 =	simm.s32 @p1 $0x4  }
0x21b: {  	[tilespmem:s9], [sflag:$0x4] =	stream.linear.gather @p1 [hbm4b:s1+s2], $0x80, $0x38;
	[tilespmem:$0x1CA00] =	vst v63  }
0x21c: {  	_ =	swait.ge @p1 [sflag:s10], $0x80  }
0x21d: {  	[sflag:s10] =	ssyncset.done @p1 $0x0  }
0x21e: {  	s9 =	simm.s32 @p1 $0x18880;
	[sflag:s10] =	ssyncadd.s32 @p1 $0xFFFFFF80  }
0x21f: {  	[tilespmem:s9], [sflag:$0x4] =	stream.linear.gather @p1 [hbm4b:s31+s2], $0x80, $0x38;
	[tilespmem:$0x1CA00] =	vst v63  }
0x220: {  	_ =	swait.ge @p1 [sflag:s10], $0x80  }
0x221: {  	s11 =	simm.s32 @p1 $0x18900;
	[sflag:s10] =	ssyncset.done @p1 $0x0  }
0x222: {  	s2 =	simm.s32 @p1 $0x2;
	[sflag:s10] =	ssyncadd.s32 @p1 $0xFFFFFF80;
	s10 =	simm.s32 @p1 $0x80  }
0x223: {  	[tilespmem:s11], [sflag:$0x1] =	stream.indirect.gather @p1 [hbm4b:s6+s10], $0x40, s9, s10, $0xb8;
	[tilespmem:$0x1CA00] =	vst v63  }
0x224: {  	_ =	swait.ge @p1 [sflag:s2], $0x2000  }
0x225: {  	[sflag:s2] =	ssyncset.done @p1 $0x0  }
0x226: {  	s9 =	simm.s32 @p1 $0x1AA00;
	[sflag:s2] =	ssyncadd.s32 @p1 $0xFFFFE000;
	s2 =	simm.s32 @p1 $0x1A900  }
0x227: {  	[spmem:s3] =	stream.indirect.scatter.add.f32 @p1 [tilespmem:s9], [sflag:$0x3], $0x40, s2, s10, $0xb8;
	[tilespmem:$0x1CA00] =	vst v63  }
0x228: {  	s23 =	simm.s32 @!p1 $0x4;
	s2 =	simm.s32 @!p1 $0x0;
	s9 =	simm.s32 @!p1 $0x1A900  }
0x229: {  	[tilespmem:s9], [sflag:$0x4] =	stream.linear.gather @!p1 [hbm4b:s1+s2], $0x80, $0x38;
	[tilespmem:$0x1CA00] =	vst v63  }
0x22a: {  	_ =	swait.ge @!p1 [sflag:s23], $0x80  }
0x22b: {  	[sflag:s23] =	ssyncset.done @!p1 $0x0  }
0x22c: {  	s9 =	simm.s32 @!p1 $0x1A980;
	[sflag:s23] =	ssyncadd.s32 @!p1 $0xFFFFFF80  }
0x22d: {  	[tilespmem:s9], [sflag:$0x4] =	stream.linear.gather @!p1 [hbm4b:s31+s2], $0x80, $0x38;
	[tilespmem:$0x1CA00] =	vst v63  }
0x22e: {  	_ =	swait.ge @!p1 [sflag:s23], $0x80  }
0x22f: {  	s24 =	simm.s32 $0x1;
	s11 =	simm.s32 @!p1 $0x1AA00;
	[sflag:s23] =	ssyncset.done @!p1 $0x0  }
0x230: {  	s10 =	simm.s32 @!p1 $0x80;
	s2 =	simm.s32 @!p1 $0x1;
	[sflag:s23] =	ssyncadd.s32 @!p1 $0xFFFFFF80  }
0x231: {  	[tilespmem:s11], [sflag:$0x2] =	stream.indirect.gather @!p1 [hbm4b:s6+s10], $0x40, s9, s10, $0xb8;
	[tilespmem:$0x1CA00] =	vst v63  }
0x232: {  	s26 =	sand.u32 $0x1, s24;
	s20 =	sadd.s32 $0x100, s31;
	_ =	swait.ge @!p1 [sflag:s2], $0x2000  }
0x233: {  	s12 =	simm.s32 @!p1 $0x18900;
	s23 =	simm.s32 @p1 $0x3;
	[sflag:s2] =	ssyncset.done @!p1 $0x0  }
0x234: {  	s11 =	simm.s32 $0x2;
	[sflag:s2] =	ssyncadd.s32 @!p1 $0xFFFFE000;
	s2 =	simm.s32 @!p1 $0x18800  }
0x235: {  	[spmem:s3] =	stream.indirect.scatter.add.f32 @!p1 [tilespmem:s12], [sflag:$0x4], $0x40, s2, s10, $0xb8;
	[tilespmem:$0x1CA00] =	vst v63  }
0x236: {  	s10 =	sadd.s32 $0x100, s1;
	p1 =	seq.s32 s26, $0x1;
	_ =	swait.ge [sflag:s23], $0x2000  }
.LBB2_7:
0x237: {  	s2 =	simm.s32 @p1 $0x0  }
0x238: {  	s12 =	simm.s32 @p1 $0x18800;
	[sflag:s23] =	ssyncset.done $0x0;
	s9 =	smov.u32 s11  }
0x239: {  	s11 =	sadd.s32 $0x1, s11;
	s24 =	simm.s32 @p1 $0x4;
	[sflag:s23] =	ssyncadd.s32 $0xFFFFE000  }
0x23a: {  	[tilespmem:s12], [sflag:$0x4] =	stream.linear.gather @p1 [hbm4b:s10+s2], $0x80, $0x38;
	[tilespmem:$0x1CA00] =	vst v63  }
0x23b: {  	p2 =	sne.s32 s11, $0x3C;
	_ =	swait.ge @p1 [sflag:s24], $0x80  }
0x23c: {  	[sflag:s24] =	ssyncset.done @p1 $0x0  }
0x23d: {  	s12 =	simm.s32 @p1 $0x18880;
	[sflag:s24] =	ssyncadd.s32 @p1 $0xFFFFFF80  }
0x23e: {  	[tilespmem:s12], [sflag:$0x4] =	stream.linear.gather @p1 [hbm4b:s20+s2], $0x80, $0x38;
	[tilespmem:$0x1CA00] =	vst v63  }
0x23f: {  	_ =	swait.ge @p1 [sflag:s24], $0x80  }
0x240: {  	s2 =	simm.s32 @p1 $0x2;
	[sflag:s24] =	ssyncset.done @p1 $0x0  }
0x241: {  	s23 =	simm.s32 @p1 $0x80;
	[sflag:s24] =	ssyncadd.s32 @p1 $0xFFFFFF80;
	s24 =	simm.s32 @p1 $0x18900  }
0x242: {  	[tilespmem:s24], [sflag:$0x1] =	stream.indirect.gather @p1 [hbm4b:s6+s23], $0x40, s12, s23, $0xb8;
	[tilespmem:$0x1CA00] =	vst v63  }
0x243: {  	_ =	swait.ge @p1 [sflag:s2], $0x2000  }
0x244: {  	[sflag:s2] =	ssyncset.done @p1 $0x0  }
0x245: {  	s12 =	simm.s32 @p1 $0x1AA00;
	[sflag:s2] =	ssyncadd.s32 @p1 $0xFFFFE000;
	s2 =	simm.s32 @p1 $0x1A900  }
0x246: {  	[spmem:s3] =	stream.indirect.scatter.add.f32 @p1 [tilespmem:s12], [sflag:$0x3], $0x40, s2, s23, $0xb8;
	[tilespmem:$0x1CA00] =	vst v63  }
0x247: {  	s2 =	simm.s32 @!p1 $0x0;
	s12 =	simm.s32 @!p1 $0x1A900;
	s23 =	simm.s32 @!p1 $0x4  }
0x248: {  	[tilespmem:s12], [sflag:$0x4] =	stream.linear.gather @!p1 [hbm4b:s10+s2], $0x80, $0x38;
	[tilespmem:$0x1CA00] =	vst v63  }
0x249: {  	_ =	swait.ge @!p1 [sflag:s23], $0x80  }
0x24a: {  	[sflag:s23] =	ssyncset.done @!p1 $0x0  }
0x24b: {  	s12 =	simm.s32 @!p1 $0x1A980;
	[sflag:s23] =	ssyncadd.s32 @!p1 $0xFFFFFF80  }
0x24c: {  	[tilespmem:s12], [sflag:$0x4] =	stream.linear.gather @!p1 [hbm4b:s20+s2], $0x80, $0x38;
	[tilespmem:$0x1CA00] =	vst v63  }
0x24d: {  	_ =	swait.ge @!p1 [sflag:s23], $0x80  }
0x24e: {  	s2 =	simm.s32 @!p1 $0x1;
	[sflag:s23] =	ssyncset.done @!p1 $0x0  }
0x24f: {  	s26 =	simm.s32 @!p1 $0x1AA00;
	s24 =	simm.s32 @!p1 $0x80;
	[sflag:s23] =	ssyncadd.s32 @!p1 $0xFFFFFF80  }
0x250: {  	[tilespmem:s26], [sflag:$0x2] =	stream.indirect.gather @!p1 [hbm4b:s6+s24], $0x40, s12, s24, $0xb8;
	[tilespmem:$0x1CA00] =	vst v63  }
.Ltmp8:
0x251: {  	s10 =	sadd.s32 $0x100, s10;
	_ =	swait.ge @!p1 [sflag:s2], $0x2000;
	(pc) =	sbr.rel @p2 .LBB2_7-.Ltmp8, $4  }
0x252: {  	s9 =	sand.u32 $0x1, s9;
	s12 =	simm.s32 @!p1 $0x18900;
	[sflag:s2] =	ssyncset.done @!p1 $0x0  }
0x253: {  	s23 =	simm.s32 @p1 $0x3;
	[sflag:s2] =	ssyncadd.s32 @!p1 $0xFFFFE000;
	s2 =	simm.s32 @!p1 $0x18800  }
0x254: {  	[spmem:s3] =	stream.indirect.scatter.add.f32 @!p1 [tilespmem:s12], [sflag:$0x4], $0x40, s2, s24, $0xb8;
	[tilespmem:$0x1CA00] =	vst v63  }
0x255: {  	s20 =	sadd.s32 $0x100, s20;
	p1 =	seq.s32 s9, $0x1;
	_ =	swait.ge [sflag:s23], $0x2000  }
0x256: {  	s2 =	simm.s32 @p1 $0x0;
	[sflag:s23] =	ssyncset.done $0x0  }
0x257: {  	s9 =	simm.s32 @p1 $0x18800;
	s11 =	simm.s32 @p1 $0x4;
	[sflag:s23] =	ssyncadd.s32 $0xFFFFE000  }
0x258: {  	[tilespmem:s9], [sflag:$0x4] =	stream.linear.gather @p1 [hbm4b:s10+s2], $0x80, $0x38;
	[tilespmem:$0x1CA00] =	vst v63  }
0x259: {  	_ =	swait.ge @p1 [sflag:s11], $0x80  }
0x25a: {  	[sflag:s11] =	ssyncset.done @p1 $0x0  }
0x25b: {  	s9 =	simm.s32 @p1 $0x18880;
	[sflag:s11] =	ssyncadd.s32 @p1 $0xFFFFFF80  }
0x25c: {  	[tilespmem:s9], [sflag:$0x4] =	stream.linear.gather @p1 [hbm4b:s20+s2], $0x80, $0x38;
	[tilespmem:$0x1CA00] =	vst v63  }
0x25d: {  	_ =	swait.ge @p1 [sflag:s11], $0x80  }
0x25e: {  	s12 =	simm.s32 @p1 $0x18900;
	[sflag:s11] =	ssyncset.done @p1 $0x0  }
0x25f: {  	s2 =	simm.s32 @p1 $0x2;
	[sflag:s11] =	ssyncadd.s32 @p1 $0xFFFFFF80;
	s11 =	simm.s32 @p1 $0x80  }
0x260: {  	[tilespmem:s12], [sflag:$0x1] =	stream.indirect.gather @p1 [hbm4b:s6+s11], $0x40, s9, s11, $0xb8;
	[tilespmem:$0x1CA00] =	vst v63  }
0x261: {  	_ =	swait.ge @p1 [sflag:s2], $0x2000  }
0x262: {  	[sflag:s2] =	ssyncset.done @p1 $0x0  }
0x263: {  	s9 =	simm.s32 @p1 $0x1AA00;
	[sflag:s2] =	ssyncadd.s32 @p1 $0xFFFFE000;
	s2 =	simm.s32 @p1 $0x1A900  }
0x264: {  	[spmem:s3] =	stream.indirect.scatter.add.f32 @p1 [tilespmem:s9], [sflag:$0x3], $0x40, s2, s11, $0xb8;
	[tilespmem:$0x1CA00] =	vst v63  }
0x265: {  	s2 =	simm.s32 @!p1 $0x0;
	s9 =	simm.s32 @!p1 $0x1A900;
	s11 =	simm.s32 @!p1 $0x4  }
0x266: {  	[tilespmem:s9], [sflag:$0x4] =	stream.linear.gather @!p1 [hbm4b:s10+s2], $0x80, $0x38;
	[tilespmem:$0x1CA00] =	vst v63  }
0x267: {  	_ =	swait.ge @!p1 [sflag:s11], $0x80  }
0x268: {  	[sflag:s11] =	ssyncset.done @!p1 $0x0  }
0x269: {  	s9 =	simm.s32 @!p1 $0x1A980;
	[sflag:s11] =	ssyncadd.s32 @!p1 $0xFFFFFF80  }
0x26a: {  	[tilespmem:s9], [sflag:$0x4] =	stream.linear.gather @!p1 [hbm4b:s20+s2], $0x80, $0x38;
	[tilespmem:$0x1CA00] =	vst v63  }
0x26b: {  	_ =	swait.ge @!p1 [sflag:s11], $0x80  }
0x26c: {  	s12 =	simm.s32 @!p1 $0x1AA00;
	[sflag:s11] =	ssyncset.done @!p1 $0x0  }
0x26d: {  	s10 =	simm.s32 @!p1 $0x80;
	s2 =	simm.s32 @!p1 $0x1;
	[sflag:s11] =	ssyncadd.s32 @!p1 $0xFFFFFF80  }
0x26e: {  	[tilespmem:s12], [sflag:$0x2] =	stream.indirect.gather @!p1 [hbm4b:s6+s10], $0x40, s9, s10, $0xb8;
	[tilespmem:$0x1CA00] =	vst v63  }
0x26f: {  	_ =	swait.ge @!p1 [sflag:s2], $0x2000  }
0x270: {  	s11 =	simm.s32 @p1 $0x3;
	[sflag:s2] =	ssyncset.done @!p1 $0x0  }
0x271: {  	s9 =	simm.s32 @!p1 $0x18900;
	[sflag:s2] =	ssyncadd.s32 @!p1 $0xFFFFE000;
	s2 =	simm.s32 @!p1 $0x18800  }
0x272: {  	[spmem:s3] =	stream.indirect.scatter.add.f32 @!p1 [tilespmem:s9], [sflag:$0x4], $0x40, s2, s10, $0xb8;
	[tilespmem:$0x1CA00] =	vst v63  }
0x273: {  	_ =	swait.ge [sflag:s11], $0x2000  }
0x274: {  	[sflag:s11] =	ssyncset.done $0x0  }
.Ltmp9:
0x275: {  	[sflag:s11] =	ssyncadd.s32 $0xFFFFE000;
	(pc) =	sbr.rel .LBB2_14-.Ltmp9, $4  }
0x276: {  	_ =	swait.ge [sflag:s21], $0x2000  }
0x277: {  	[sflag:s21] =	ssyncset.done $0x0  }
0x278: {  	s9 =	simm.s32 $0x4;
	s10 =	rddreg [dreg:$0xc];
	[sflag:s21] =	ssyncadd.s32 $0xFFFFE000  }
0x279: {  	[spmem:s3] =	stream.indirect.scatter.add.f32 [tilespmem:s19], [sflag:$0x4], $0x40, s8, s18, $0xb8;
	[tilespmem:$0x1CA00] =	vst v63  }
.LBB2_15:
0x27a: {  	_ =	sfence.sel $0x180000  }
0x27b: {  	[bflag:$0x0] =	sbarrier.arrive $0xFFFF  }
0x27c: {  	_ =	strace $0x90000047  }
0x27d: {  	s0 =	stileid.u32;
	[bflag:$0x2] =	sbarrier.arrive $0xFFFF  }
0x27e: {  	p0 =	sne.s32 s0, $0x0;
	s0 =	rddreg [dreg:$0xb]  }
0x27f: {  	s0 =	sadd.s32 @!p0 $0x100000, s0  }
0x280: {  	[sflag:s0] =	ssyncadd.tile.s32 @!p0 $0x1;
	_ =	shalt  }
.Lfunc_end2:
_tile_overlayer_lowered:
.L_overlay_start_2:
0x281: {  	(tag) =	ssettag $0x2  }
0x282: {  	s0 =	rddreg [dreg:$0x0];
	s2 =	stileid.u32  }
0x283: {  	s1 =	rddreg [dreg:$0x1];
	p0 =	sne.s32 s2, $0x0  }
0x284: {  	s3 =	rddreg [dreg:$0x2];
	[bflag:$0x3] =	sbarrier.arrive $0xFFFF;
	s2 =	simm.s32 @!p0 $0x1C03  }
0x285: {  	[timem:s3], [sflag:s2] =	dma.local @!p0 [hbm:s0], s1  }
0x286: {  	s0 =	simm.s32 @!p0 $0x3  }
0x287: {  	_ =	swait.ge @!p0 [sflag:s0], s1  }
0x288: {  	s1 =	ssub.s32 @!p0 $0x0, s1;
	[sflag:s0] =	ssyncset.done @!p0 $0x0  }
0x289: {  	[sflag:s0] =	ssyncadd.s32 @!p0 s1  }
0x28a: {  	[bflag:$0x3] =	sbarrier.arrive $0xFFFF  }
0x28b: {  	_ =	shalt  }

</sc_bundles>
